<compile_context>
chip_gen: v7x
topology: tpu7x:2x2x1
jax: 0.10.2.dev20260603
libtpu: 0.0.44.dev20260713+nightly
codegen_flags: <defaults>
</compile_context>

<pallas_src>
import functools

import jax
import jax.numpy as jnp
from jax import lax
from jax.experimental import pallas as pl
from jax.experimental.pallas import tpu as pltpu
from jax.experimental.pallas import tpu_sc as plsc

N = 10000
E = 320000
D = 128
H = 8
DK = 16
INV_SQRT_DK = 0.25

NC = 2
NS = 16
NW = NC * NS
EPW = E // NW
CH = 80
NCHUNK = EPW // CH

_mesh = plsc.VectorSubcoreMesh(core_axis_name="c", subcore_axis_name="s")


def _node_tables_body(x, wq, bq, wvb, cvb, qn_o, t_o):
    xv = x[...]
    qn_o[...] = jnp.dot(xv, wq[...], preferred_element_type=jnp.float32) + bq[...]
    t_o[:, :D] = xv
    t_o[:, D:] = jnp.dot(xv, wvb[...], preferred_element_type=jnp.float32) + cvb[...]


@functools.partial(
    pl.kernel,
    mesh=_mesh,
    out_type=[
        jax.ShapeDtypeStruct((E, 2 * D), jnp.float32),
        jax.ShapeDtypeStruct((E, D), jnp.float32),
    ],
    scratch_types=[
        pltpu.VMEM((NCHUNK, CH), jnp.int32),
        pltpu.VMEM((NCHUNK, CH), jnp.int32),
        pltpu.VMEM((CH, 2 * D), jnp.float32),
        pltpu.VMEM((CH, D), jnp.float32),
        pltpu.VMEM((CH, 2 * D), jnp.float32),
        pltpu.VMEM((CH, D), jnp.float32),
        pltpu.SemaphoreType.DMA,
        pltpu.SemaphoreType.DMA,
        pltpu.SemaphoreType.DMA,
        pltpu.SemaphoreType.DMA,
    ],
)
def _gather_k(t_hbm, qn_hbm, src_hbm, dst_hbm, gsrc_hbm, gdst_hbm,
              sidx, didx, buf_ta, buf_qa, buf_tb, buf_qb,
              sem_ta, sem_qa, sem_tb, sem_qb):
    c = lax.axis_index("c")
    s = lax.axis_index("s")
    wid = s * NC + c
    base = wid * EPW
    pltpu.sync_copy(src_hbm.at[wid], sidx)
    pltpu.sync_copy(dst_hbm.at[wid], didx)

    def issue(j, bt, bq, st, sq):
        pltpu.async_copy(t_hbm.at[sidx.at[j]], bt, st)
        pltpu.async_copy(qn_hbm.at[didx.at[j]], bq, sq)

    def drain_write(j, bt, bq, st, sq):
        pltpu.make_async_copy(t_hbm.at[sidx.at[j]], bt, st).wait()
        pltpu.make_async_copy(qn_hbm.at[didx.at[j]], bq, sq).wait()
        pltpu.sync_copy(bt, gsrc_hbm.at[pl.ds(base + j * CH, CH)])
        pltpu.sync_copy(bq, gdst_hbm.at[pl.ds(base + j * CH, CH)])

    issue(0, buf_ta, buf_qa, sem_ta, sem_qa)

    def body(i, carry):
        j = 2 * i
        issue(j + 1, buf_tb, buf_qb, sem_tb, sem_qb)
        drain_write(j, buf_ta, buf_qa, sem_ta, sem_qa)
        issue(j + 2, buf_ta, buf_qa, sem_ta, sem_qa)
        drain_write(j + 1, buf_tb, buf_qb, sem_tb, sem_qb)
        return carry

    lax.fori_loop(0, (NCHUNK - 1) // 2, body, 0)
    drain_write(NCHUNK - 1, buf_ta, buf_qa, sem_ta, sem_qa)


def _edge_body(eh, gs, gd, wk, bk, wv, bv, a2, s16, st16, he_o, pv_o, pb_o):
    ehv = eh[...]
    gsv = gs[...]
    ein = ehv + gsv[:, :D]
    ke = jnp.dot(ein, wk[...], preferred_element_type=jnp.float32) + bk[...]
    ve = jnp.dot(ein, wv[...], preferred_element_type=jnp.float32) + bv[...]
    att = jnp.dot(gd[...] * ke, s16[...],
                  preferred_element_type=jnp.float32) * INV_SQRT_DK
    lane = lax.broadcasted_iota(jnp.int32, att.shape, 1)
    p = jnp.where(lane < H, jnp.exp(att), 0.0)
    pb = jnp.dot(p, st16[...], preferred_element_type=jnp.float32)
    pv_o[...] = ve * pb
    pb_o[...] = pb
    he = jnp.dot(ehv, a2[...], preferred_element_type=jnp.float32) + gsv[:, D:]
    he_o[...] = jnp.where(he >= 0.0, he, 0.01 * he)


NROWCH = 80
NNCH = N // NROWCH
NNCH_PER_TILE = -(-NNCH // NS)


@functools.partial(
    pl.kernel,
    mesh=_mesh,
    out_type=jax.ShapeDtypeStruct((NC, N, D), jnp.float32),
    scratch_types=[
        pltpu.VMEM((NCHUNK, CH), jnp.int32),
        pltpu.VMEM((NNCH, NROWCH), jnp.int32),
        pltpu.VMEM((CH, D), jnp.float32),
        pltpu.VMEM_SHARED((N, D), jnp.float32),
        pltpu.SemaphoreType.DMA,
    ],
)
def _scatter_k(upd_hbm, dst_hbm, rows_hbm, z128_hbm, acc_hbm,
               didx, ridx, buf_v, acc_sh, sem_v):
    c = lax.axis_index("c")
    s = lax.axis_index("s")
    wid = s * NC + c
    base = wid * EPW

    pltpu.sync_copy(rows_hbm, ridx)
    pltpu.sync_copy(z128_hbm, buf_v)

    def zbody(k, carry):
        j = s + k * NS

        @pl.when(j < NNCH)
        def _():
            pltpu.sync_copy(buf_v, acc_sh.at[ridx.at[j]])

        return carry

    lax.fori_loop(0, NNCH_PER_TILE, zbody, 0)
    plsc.subcore_barrier()
    pltpu.sync_copy(dst_hbm.at[wid], didx)

    def body(j, carry):
        pltpu.sync_copy(upd_hbm.at[pl.ds(base + j * CH, CH)], buf_v)
        pltpu.sync_copy(buf_v, acc_sh.at[didx.at[j]], add=True)
        return carry

    lax.fori_loop(0, NCHUNK, body, 0)
    plsc.subcore_barrier()

    def dbody(k, carry):
        j = s + k * NS

        @pl.when(j < NNCH)
        def _():
            pltpu.async_copy(acc_sh.at[ridx.at[j]], buf_v, sem_v).wait()
            pltpu.sync_copy(buf_v, acc_hbm.at[c, pl.ds(j * NROWCH, NROWCH)])

        return carry

    lax.fori_loop(0, NNCH_PER_TILE, dbody, 0)


def _node_out_body(x, maccp, denp, a1, b1, c1, hn_o):
    macc = maccp[0] + maccp[1]
    den = denp[0] + denp[1]
    m = macc / (den + 1e-9)
    hn = (jnp.dot(x[...], a1[...], preferred_element_type=jnp.float32)
          + jnp.dot(m, b1[...], preferred_element_type=jnp.float32) + c1[...])
    hn_o[...] = jnp.where(hn >= 0.0, hn, 0.01 * hn)


def kernel(x, edge_h, edge_index, n_q_W, n_q_b, n_k_W, n_k_b, n_v_W, n_v_b,
           e_q_W, e_q_b, e_k_W, e_k_b, e_v_W, e_v_b,
           tm_n_W, tm_n_b, tm_e_W, tm_e_b, n_lin_W, n_lin_b,
           Wnd_W, Wnd_b, Wed_W, Wed_b):
    f32 = jnp.float32

    wq_n = n_q_W @ tm_n_W
    bq_n = (n_q_b @ tm_n_W + tm_n_b).reshape(1, D)
    wv_n = n_v_W @ tm_n_W
    bv_n = n_v_b @ tm_n_W + tm_n_b
    b2 = n_lin_W @ Wed_W[D:]
    c2 = n_lin_b @ Wed_W[D:] + Wed_b
    wvb = wv_n @ b2
    cvb = (bv_n @ b2 + c2).reshape(1, D)
    a2 = Wed_W[:D]
    wk_e = e_k_W @ tm_e_W
    bk_e = (e_k_b @ tm_e_W + tm_e_b).reshape(1, D)
    wv_e = e_v_W @ tm_e_W
    bv_e = (e_v_b @ tm_e_W + tm_e_b).reshape(1, D)
    b1 = n_lin_W @ Wnd_W[D:]
    c1 = (n_lin_b @ Wnd_W[D:] + Wnd_b).reshape(1, D)
    a1 = Wnd_W[:D]

    jj = jnp.arange(D)
    s16 = (jj[:, None] // DK == jnp.arange(16)[None, :]).astype(f32)
    st16 = s16.T

    src3 = edge_index[0].reshape(NW, NCHUNK, CH)
    dst3 = edge_index[1].reshape(NW, NCHUNK, CH)

    bn = 1000
    qn, t = pl.pallas_call(
        _node_tables_body,
        grid=(N // bn,),
        in_specs=[
            pl.BlockSpec((bn, D), lambda i: (i, 0)),
            pl.BlockSpec((D, D), lambda i: (0, 0)),
            pl.BlockSpec((1, D), lambda i: (0, 0)),
            pl.BlockSpec((D, D), lambda i: (0, 0)),
            pl.BlockSpec((1, D), lambda i: (0, 0)),
        ],
        out_specs=[
            pl.BlockSpec((bn, D), lambda i: (i, 0)),
            pl.BlockSpec((bn, 2 * D), lambda i: (i, 0)),
        ],
        out_shape=[
            jax.ShapeDtypeStruct((N, D), f32),
            jax.ShapeDtypeStruct((N, 2 * D), f32),
        ],
    )(x, wq_n, bq_n, wvb, cvb)

    gsrc, gdst = _gather_k(t, qn, src3, dst3)

    be = 2000
    h_e, pv, pb = pl.pallas_call(
        _edge_body,
        grid=(E // be,),
        in_specs=[
            pl.BlockSpec((be, D), lambda i: (i, 0)),
            pl.BlockSpec((be, 2 * D), lambda i: (i, 0)),
            pl.BlockSpec((be, D), lambda i: (i, 0)),
            pl.BlockSpec((D, D), lambda i: (0, 0)),
            pl.BlockSpec((1, D), lambda i: (0, 0)),
            pl.BlockSpec((D, D), lambda i: (0, 0)),
            pl.BlockSpec((1, D), lambda i: (0, 0)),
            pl.BlockSpec((D, D), lambda i: (0, 0)),
            pl.BlockSpec((D, 16), lambda i: (0, 0)),
            pl.BlockSpec((16, D), lambda i: (0, 0)),
        ],
        out_specs=[
            pl.BlockSpec((be, D), lambda i: (i, 0)),
            pl.BlockSpec((be, D), lambda i: (i, 0)),
            pl.BlockSpec((be, D), lambda i: (i, 0)),
        ],
        out_shape=[
            jax.ShapeDtypeStruct((E, D), f32),
            jax.ShapeDtypeStruct((E, D), f32),
            jax.ShapeDtypeStruct((E, D), f32),
        ],
    )(edge_h, gsrc, gdst, wk_e, bk_e, wv_e, bv_e, a2, s16, st16)

    z128 = jnp.zeros((NROWCH, D), f32)
    rows = jnp.arange(N, dtype=jnp.int32).reshape(NNCH, NROWCH)
    maccp = _scatter_k(pv, dst3, rows, z128)
    denp = _scatter_k(pb, dst3, rows, z128)

    h_n = pl.pallas_call(
        _node_out_body,
        grid=(N // bn,),
        in_specs=[
            pl.BlockSpec((bn, D), lambda i: (i, 0)),
            pl.BlockSpec((NC, bn, D), lambda i: (0, i, 0)),
            pl.BlockSpec((NC, bn, D), lambda i: (0, i, 0)),
            pl.BlockSpec((D, D), lambda i: (0, 0)),
            pl.BlockSpec((D, D), lambda i: (0, 0)),
            pl.BlockSpec((1, D), lambda i: (0, 0)),
        ],
        out_specs=pl.BlockSpec((bn, D), lambda i: (i, 0)),
        out_shape=jax.ShapeDtypeStruct((N, D), f32),
    )(x, maccp, denp, a1, b1, c1)

    return h_n, h_e

# --- scband reference (transcript-rebuilt; emitter-appended) ---
"""Pipeline reference for scband-hgtlayer-27565100105880 (READ-ONLY COPY).

The authoritative reference and input builder live on the scoring server;
editing this copy changes nothing except your own understanding.
"""

import jax, jax.numpy as jnp
import numpy as np

N = 10000
E = 320000
IN_DIM = 128
OUT_DIM = 128
H = 8
DK = OUT_DIM // H
SQRT_DK = float(np.sqrt(DK))


def _lin(k, fi, fo):
    return jax.random.normal(k, (fi, fo), dtype=jnp.float32) * 0.02


def setup_inputs(seed: int = 0) -> dict:
    key = jax.random.key(seed)
    ks = jax.random.split(key, 30)
    inp = {}
    inp["x"] = jax.random.normal(ks[0], (N, IN_DIM), dtype=jnp.float32)
    inp["edge_h"] = jax.random.normal(ks[1], (E, IN_DIM), dtype=jnp.float32)
    inp["edge_index"] = jax.random.randint(ks[2], (2, E), 0, N, dtype=jnp.int32)
    names = ["n_q", "n_k", "n_v", "e_q", "e_k", "e_v", "tm_n", "tm_e", "n_lin"]
    for i, nm in enumerate(names):
        inp[nm + "_W"] = _lin(ks[3 + i], OUT_DIM, OUT_DIM)
        inp[nm + "_b"] = jnp.zeros((OUT_DIM,), dtype=jnp.float32)
    inp["Wnd_W"] = _lin(ks[25], 2 * OUT_DIM, OUT_DIM)
    inp["Wnd_b"] = jnp.zeros((OUT_DIM,), dtype=jnp.float32)
    inp["Wed_W"] = _lin(ks[26], 2 * OUT_DIM, OUT_DIM)
    inp["Wed_b"] = jnp.zeros((OUT_DIM,), dtype=jnp.float32)
    return inp


def reference(x, edge_h, edge_index, n_q_W, n_q_b, n_k_W, n_k_b, n_v_W, n_v_b,
              e_q_W, e_q_b, e_k_W, e_k_b, e_v_W, e_v_b,
              tm_n_W, tm_n_b, tm_e_W, tm_e_b, n_lin_W, n_lin_b,
              Wnd_W, Wnd_b, Wed_W, Wed_b):
    src = edge_index[0]
    dst = edge_index[1]
    # per-type node Q/K/V projections followed by type_mapping linear
    Qn = ((x @ n_q_W + n_q_b) @ tm_n_W + tm_n_b).reshape(-1, H, DK)
    Kn = ((x @ n_k_W + n_k_b) @ tm_n_W + tm_n_b).reshape(-1, H, DK)
    Vn = ((x @ n_v_W + n_v_b) @ tm_n_W + tm_n_b).reshape(-1, H, DK)
    # edge features mixed with gathered source node features (memory-bound gather)
    e_in = edge_h + x[src]
    Qe = ((e_in @ e_q_W + e_q_b) @ tm_e_W + tm_e_b).reshape(-1, H, DK)
    Ke = ((e_in @ e_k_W + e_k_b) @ tm_e_W + tm_e_b).reshape(-1, H, DK)
    Ve = ((e_in @ e_v_W + e_v_b) @ tm_e_W + tm_e_b).reshape(-1, H, DK)
    # fn.v_dot_e('Q','K'): dst-node Q dot edge K, per head
    att = jnp.sum(Qn[dst] * Ke, axis=-1) / SQRT_DK
    # edge_softmax normalized by dst (segment softmax)
    att_max = jax.ops.segment_max(att, dst, num_segments=N)
    att_max = jnp.where(jnp.isfinite(att_max), att_max, 0.0)
    att_exp = jnp.exp(att - att_max[dst])
    att_den = jax.ops.segment_sum(att_exp, dst, num_segments=N)
    att_n = att_exp / (att_den[dst] + 1e-9)
    # update_all: sum over incoming edges of att * V_e (scatter-add)
    m_node = jax.ops.segment_sum(att_n[:, :, None] * Ve, dst, num_segments=N).reshape(-1, OUT_DIM)
    # line-graph augmented with node->edge arcs: each edge-node attends to its
    # original source node (fn.v_dot_u('Q','K') with singleton in-neighborhood,
    # so the per-dst softmax is exactly 1)
    att_e = jnp.sum(Qe * Kn[src], axis=-1) / SQRT_DK
    att_e_n = jnp.exp(att_e - att_e)
    m_edge = (att_e_n[:, :, None] * Vn[src]).reshape(-1, OUT_DIM)
    leaky = lambda v: jnp.where(v >= 0.0, v, 0.01 * v)
    # W_n_delta / W_e_delta residual update (dropout is identity at eval)
    h_n = leaky(jnp.concatenate([x, m_node @ n_lin_W + n_lin_b], axis=1) @ Wnd_W + Wnd_b)
    h_e = leaky(jnp.concatenate([edge_h, m_edge @ n_lin_W + n_lin_b], axis=1) @ Wed_W + Wed_b)
    return h_n, h_e

if __name__ == "__main__":
    import jax
    _d = setup_inputs()
    print(jax.jit(kernel)(*tuple(_d.values())))

</pallas_src>

<mosaic_0001>
#map = affine_map<(d0, d1) -> (0, 0)>
#map1 = affine_map<(d0, d1) -> (0, 0, 0)>
module attributes {stable_mosaic.version = 14 : i64} {
  func.func @_scatter_k(%arg0: i32, %arg1: i32, %arg2: memref<320000x128xf32, #tpu.memory_space<hbm>>, %arg3: memref<32x125x80xi32, #tpu.memory_space<hbm>>, %arg4: memref<125x80xi32, #tpu.memory_space<hbm>>, %arg5: memref<80x128xf32, #tpu.memory_space<hbm>>, %arg6: memref<2x10000x128xf32, #tpu.memory_space<hbm>>, %arg7: memref<125x80xi32, #tpu.memory_space<vmem>>, %arg8: memref<125x80xi32, #tpu.memory_space<vmem>>, %arg9: memref<80x128xf32, #tpu.memory_space<vmem>>, %arg10: memref<10000x128xf32, #tpu.memory_space<vmem_shared>>, %arg11: memref<!tpu.dma_semaphore, #tpu.memory_space<semaphore_mem>>) attributes {dimension_semantics = [#tpu.dimension_semantics<core_parallel>, #tpu.dimension_semantics<subcore_parallel>], iteration_bounds = array<i64: 2, 16>, scalar_prefetch = 0 : i64, scratch_operands = 5 : i64, tpu.core_type = #tpu.core_type<sc_vector_subcore>, window_params = [{transform_indices = #map}, {transform_indices = #map1}, {transform_indices = #map}, {transform_indices = #map}, {transform_indices = #map1}]} {
    %mul3A = arith.constant 2 : i32
    %mul3A_0 = arith.muli %arg1, %mul3A : i32
    %add3A = arith.addi %mul3A_0, %arg0 : i32
    %mul3A_1 = arith.constant 10000 : i32
    %mul3A_2 = arith.muli %add3A, %mul3A_1 : i32
    "tpu.region"() ({
      %run_scoped3A = tpu.sem_alloc : memref<!tpu.dma_semaphore, #tpu.memory_space<semaphore_mem>>
      tpu.enqueue_dma source(%arg4 : memref<125x80xi32, #tpu.memory_space<hbm>>) target(%arg8 : memref<125x80xi32, #tpu.memory_space<vmem>>) target_semaphore(%run_scoped3A : memref<!tpu.dma_semaphore, #tpu.memory_space<semaphore_mem>>)
      tpu.wait_dma2 semaphore(%run_scoped3A : memref<!tpu.dma_semaphore, #tpu.memory_space<semaphore_mem>>) src(%arg4 : memref<125x80xi32, #tpu.memory_space<hbm>>) dst(%arg8 : memref<125x80xi32, #tpu.memory_space<vmem>>)
      tpu.yield
    }) : () -> ()
    "tpu.region"() ({
      %run_scoped3A = tpu.sem_alloc : memref<!tpu.dma_semaphore, #tpu.memory_space<semaphore_mem>>
      tpu.enqueue_dma source(%arg5 : memref<80x128xf32, #tpu.memory_space<hbm>>) target(%arg9 : memref<80x128xf32, #tpu.memory_space<vmem>>) target_semaphore(%run_scoped3A : memref<!tpu.dma_semaphore, #tpu.memory_space<semaphore_mem>>)
      tpu.wait_dma2 semaphore(%run_scoped3A : memref<!tpu.dma_semaphore, #tpu.memory_space<semaphore_mem>>) src(%arg5 : memref<80x128xf32, #tpu.memory_space<hbm>>) dst(%arg9 : memref<80x128xf32, #tpu.memory_space<vmem>>)
      tpu.yield
    }) : () -> ()
    %scan3A = arith.constant 0 : i32
    %scan3A_3 = arith.constant 0 : i32
    %scan3A_4 = arith.constant 8 : i32
    %scan3A_5 = arith.addi %scan3A_3, %scan3A_4 : i32
    %scan3A_6 = arith.constant 1 : i32
    scf.for %scan3A_21 = %scan3A_3 to %scan3A_5 step %scan3A_6  : i32 {
      %mul3A_22 = arith.constant 16 : i32
      %mul3A_23 = arith.muli %scan3A_21, %mul3A_22 : i32
      %add3A_24 = arith.addi %arg1, %mul3A_23 : i32
      %lt3A = arith.constant 125 : i32
      %lt3A_25 = arith.cmpi slt, %add3A_24, %lt3A : i32
      %convert_element_type3A = arith.extui %lt3A_25 : i1 to i32
      %cond3A = arith.constant 0 : i32
      %cond3A_26 = arith.cmpi ne, %convert_element_type3A, %cond3A : i32
      scf.if %cond3A_26 {
        "tpu.region"() ({
          %run_scoped3A = tpu.sem_alloc : memref<!tpu.dma_semaphore, #tpu.memory_space<semaphore_mem>>
          %dma_start3A = arith.constant 0 : i32
          %dma_start3A_27 = tpu.memref_slice %arg8[%add3A_24, %dma_start3A] : memref<125x80xi32, #tpu.memory_space<vmem>> -> memref<1x80xi32, #tpu.memory_space<vmem>>
          %dma_start3A_28 = tpu.memref_squeeze %dma_start3A_27 : memref<1x80xi32, #tpu.memory_space<vmem>> -> memref<80xi32, #tpu.memory_space<vmem>>
          %dma_start3A_29 = arith.constant 0 : i32
          %dma_start3A_30 = arith.constant 0 : i32
          %dma_start3A_31 = tpu.memref_slice %arg10[%dma_start3A_29, %dma_start3A_30] : memref<10000x128xf32, #tpu.memory_space<vmem_shared>> -> memref<10000x128xf32, #tpu.memory_space<vmem_shared>>
          tpu.enqueue_indirect_dma source(%arg9 : memref<80x128xf32, #tpu.memory_space<vmem>>) target(%dma_start3A_31 : memref<10000x128xf32, #tpu.memory_space<vmem_shared>>) offsets(%dma_start3A_28 : memref<80xi32, #tpu.memory_space<vmem>>) semaphore(%run_scoped3A : memref<!tpu.dma_semaphore, #tpu.memory_space<semaphore_mem>>)
          %dma_wait3A = arith.constant 0 : i32
          %dma_wait3A_32 = tpu.memref_slice %arg8[%add3A_24, %dma_wait3A] : memref<125x80xi32, #tpu.memory_space<vmem>> -> memref<1x80xi32, #tpu.memory_space<vmem>>
          %dma_wait3A_33 = tpu.memref_squeeze %dma_wait3A_32 : memref<1x80xi32, #tpu.memory_space<vmem>> -> memref<80xi32, #tpu.memory_space<vmem>>
          %dma_wait3A_34 = arith.constant 0 : i32
          %dma_wait3A_35 = arith.constant 0 : i32
          %dma_wait3A_36 = tpu.memref_slice %arg10[%dma_wait3A_34, %dma_wait3A_35] : memref<10000x128xf32, #tpu.memory_space<vmem_shared>> -> memref<10000x128xf32, #tpu.memory_space<vmem_shared>>
          tpu.wait_indirect_dma semaphore(%run_scoped3A : memref<!tpu.dma_semaphore, #tpu.memory_space<semaphore_mem>>) src(%arg9 : memref<80x128xf32, #tpu.memory_space<vmem>>) dst(%dma_wait3A_36 : memref<10000x128xf32, #tpu.memory_space<vmem_shared>>)
          tpu.yield
        }) : () -> ()
      } else {
      }
    }
    %scan3A_7 = arith.constant 8 : i32
    %barrier3A = arith.constant 0 : index
    tpu.barrier barrier_id(%barrier3A)
    "tpu.region"() ({
      %run_scoped3A = tpu.sem_alloc : memref<!tpu.dma_semaphore, #tpu.memory_space<semaphore_mem>>
      %dma_start3A = arith.constant 0 : i32
      %dma_start3A_21 = arith.constant 0 : i32
      %dma_start3A_22 = tpu.memref_slice %arg3[%add3A, %dma_start3A, %dma_start3A_21] : memref<32x125x80xi32, #tpu.memory_space<hbm>> -> memref<1x125x80xi32, #tpu.memory_space<hbm>>
      %dma_start3A_23 = tpu.memref_squeeze %dma_start3A_22 : memref<1x125x80xi32, #tpu.memory_space<hbm>> -> memref<125x80xi32, #tpu.memory_space<hbm>>
      %dma_start3A_24 = arith.constant 0 : i32
      %dma_start3A_25 = arith.constant 0 : i32
      %dma_start3A_26 = tpu.memref_slice %arg3[%add3A, %dma_start3A_24, %dma_start3A_25] : memref<32x125x80xi32, #tpu.memory_space<hbm>> -> memref<1x125x80xi32, #tpu.memory_space<hbm>>
      %dma_start3A_27 = tpu.memref_squeeze %dma_start3A_26 : memref<1x125x80xi32, #tpu.memory_space<hbm>> -> memref<125x80xi32, #tpu.memory_space<hbm>>
      tpu.enqueue_dma source(%dma_start3A_27 : memref<125x80xi32, #tpu.memory_space<hbm>>) target(%arg7 : memref<125x80xi32, #tpu.memory_space<vmem>>) target_semaphore(%run_scoped3A : memref<!tpu.dma_semaphore, #tpu.memory_space<semaphore_mem>>)
      %dma_wait3A = arith.constant 0 : i32
      %dma_wait3A_28 = arith.constant 0 : i32
      %dma_wait3A_29 = tpu.memref_slice %arg3[%add3A, %dma_wait3A, %dma_wait3A_28] : memref<32x125x80xi32, #tpu.memory_space<hbm>> -> memref<1x125x80xi32, #tpu.memory_space<hbm>>
      %dma_wait3A_30 = tpu.memref_squeeze %dma_wait3A_29 : memref<1x125x80xi32, #tpu.memory_space<hbm>> -> memref<125x80xi32, #tpu.memory_space<hbm>>
      %dma_wait3A_31 = arith.constant 0 : i32
      %dma_wait3A_32 = arith.constant 0 : i32
      %dma_wait3A_33 = tpu.memref_slice %arg3[%add3A, %dma_wait3A_31, %dma_wait3A_32] : memref<32x125x80xi32, #tpu.memory_space<hbm>> -> memref<1x125x80xi32, #tpu.memory_space<hbm>>
      %dma_wait3A_34 = tpu.memref_squeeze %dma_wait3A_33 : memref<1x125x80xi32, #tpu.memory_space<hbm>> -> memref<125x80xi32, #tpu.memory_space<hbm>>
      tpu.wait_dma2 semaphore(%run_scoped3A : memref<!tpu.dma_semaphore, #tpu.memory_space<semaphore_mem>>) src(%dma_wait3A_34 : memref<125x80xi32, #tpu.memory_space<hbm>>) dst(%arg7 : memref<125x80xi32, #tpu.memory_space<vmem>>)
      tpu.yield
    }) : () -> ()
    %scan3A_8 = arith.constant 0 : i32
    %scan3A_9 = arith.constant 0 : i32
    %scan3A_10 = arith.constant 125 : i32
    %scan3A_11 = arith.addi %scan3A_9, %scan3A_10 : i32
    %scan3A_12 = arith.constant 1 : i32
    scf.for %scan3A_21 = %scan3A_9 to %scan3A_11 step %scan3A_12  : i32 {
      %mul3A_22 = arith.constant 80 : i32
      %mul3A_23 = arith.muli %scan3A_21, %mul3A_22 : i32
      %add3A_24 = arith.addi %mul3A_2, %mul3A_23 : i32
      "tpu.region"() ({
        %run_scoped3A = tpu.sem_alloc : memref<!tpu.dma_semaphore, #tpu.memory_space<semaphore_mem>>
        %dma_start3A = arith.constant 0 : i32
        %dma_start3A_25 = tpu.memref_slice %arg2[%add3A_24, %dma_start3A] : memref<320000x128xf32, #tpu.memory_space<hbm>> -> memref<80x128xf32, #tpu.memory_space<hbm>>
        %dma_start3A_26 = arith.constant 0 : i32
        %dma_start3A_27 = tpu.memref_slice %arg2[%add3A_24, %dma_start3A_26] : memref<320000x128xf32, #tpu.memory_space<hbm>> -> memref<80x128xf32, #tpu.memory_space<hbm>>
        tpu.enqueue_dma source(%dma_start3A_27 : memref<80x128xf32, #tpu.memory_space<hbm>>) target(%arg9 : memref<80x128xf32, #tpu.memory_space<vmem>>) target_semaphore(%run_scoped3A : memref<!tpu.dma_semaphore, #tpu.memory_space<semaphore_mem>>)
        %dma_wait3A = arith.constant 0 : i32
        %dma_wait3A_28 = tpu.memref_slice %arg2[%add3A_24, %dma_wait3A] : memref<320000x128xf32, #tpu.memory_space<hbm>> -> memref<80x128xf32, #tpu.memory_space<hbm>>
        %dma_wait3A_29 = arith.constant 0 : i32
        %dma_wait3A_30 = tpu.memref_slice %arg2[%add3A_24, %dma_wait3A_29] : memref<320000x128xf32, #tpu.memory_space<hbm>> -> memref<80x128xf32, #tpu.memory_space<hbm>>
        tpu.wait_dma2 semaphore(%run_scoped3A : memref<!tpu.dma_semaphore, #tpu.memory_space<semaphore_mem>>) src(%dma_wait3A_30 : memref<80x128xf32, #tpu.memory_space<hbm>>) dst(%arg9 : memref<80x128xf32, #tpu.memory_space<vmem>>)
        tpu.yield
      }) : () -> ()
      "tpu.region"() ({
        %run_scoped3A = tpu.sem_alloc : memref<!tpu.dma_semaphore, #tpu.memory_space<semaphore_mem>>
        %dma_start3A = arith.constant 0 : i32
        %dma_start3A_25 = tpu.memref_slice %arg7[%scan3A_21, %dma_start3A] : memref<125x80xi32, #tpu.memory_space<vmem>> -> memref<1x80xi32, #tpu.memory_space<vmem>>
        %dma_start3A_26 = tpu.memref_squeeze %dma_start3A_25 : memref<1x80xi32, #tpu.memory_space<vmem>> -> memref<80xi32, #tpu.memory_space<vmem>>
        %dma_start3A_27 = arith.constant 0 : i32
        %dma_start3A_28 = arith.constant 0 : i32
        %dma_start3A_29 = tpu.memref_slice %arg10[%dma_start3A_27, %dma_start3A_28] : memref<10000x128xf32, #tpu.memory_space<vmem_shared>> -> memref<10000x128xf32, #tpu.memory_space<vmem_shared>>
        tpu.enqueue_indirect_dma source(%arg9 : memref<80x128xf32, #tpu.memory_space<vmem>>) target(%dma_start3A_29 : memref<10000x128xf32, #tpu.memory_space<vmem_shared>>) offsets(%dma_start3A_26 : memref<80xi32, #tpu.memory_space<vmem>>) semaphore(%run_scoped3A : memref<!tpu.dma_semaphore, #tpu.memory_space<semaphore_mem>>) {add = true}
        %dma_wait3A = arith.constant 0 : i32
        %dma_wait3A_30 = tpu.memref_slice %arg7[%scan3A_21, %dma_wait3A] : memref<125x80xi32, #tpu.memory_space<vmem>> -> memref<1x80xi32, #tpu.memory_space<vmem>>
        %dma_wait3A_31 = tpu.memref_squeeze %dma_wait3A_30 : memref<1x80xi32, #tpu.memory_space<vmem>> -> memref<80xi32, #tpu.memory_space<vmem>>
        %dma_wait3A_32 = arith.constant 0 : i32
        %dma_wait3A_33 = arith.constant 0 : i32
        %dma_wait3A_34 = tpu.memref_slice %arg10[%dma_wait3A_32, %dma_wait3A_33] : memref<10000x128xf32, #tpu.memory_space<vmem_shared>> -> memref<10000x128xf32, #tpu.memory_space<vmem_shared>>
        tpu.wait_indirect_dma semaphore(%run_scoped3A : memref<!tpu.dma_semaphore, #tpu.memory_space<semaphore_mem>>) src(%arg9 : memref<80x128xf32, #tpu.memory_space<vmem>>) dst(%dma_wait3A_34 : memref<10000x128xf32, #tpu.memory_space<vmem_shared>>)
        tpu.yield
      }) : () -> ()
    }
    %scan3A_13 = arith.constant 125 : i32
    %barrier3A_14 = arith.constant 0 : index
    tpu.barrier barrier_id(%barrier3A_14)
    %scan3A_15 = arith.constant 0 : i32
    %scan3A_16 = arith.constant 0 : i32
    %scan3A_17 = arith.constant 8 : i32
    %scan3A_18 = arith.addi %scan3A_16, %scan3A_17 : i32
    %scan3A_19 = arith.constant 1 : i32
    scf.for %scan3A_21 = %scan3A_16 to %scan3A_18 step %scan3A_19  : i32 {
      %mul3A_22 = arith.constant 16 : i32
      %mul3A_23 = arith.muli %scan3A_21, %mul3A_22 : i32
      %add3A_24 = arith.addi %arg1, %mul3A_23 : i32
      %lt3A = arith.constant 125 : i32
      %lt3A_25 = arith.cmpi slt, %add3A_24, %lt3A : i32
      %convert_element_type3A = arith.extui %lt3A_25 : i1 to i32
      %cond3A = arith.constant 0 : i32
      %cond3A_26 = arith.cmpi ne, %convert_element_type3A, %cond3A : i32
      scf.if %cond3A_26 {
        %dma_start3A = arith.constant 0 : i32
        %dma_start3A_27 = tpu.memref_slice %arg8[%add3A_24, %dma_start3A] : memref<125x80xi32, #tpu.memory_space<vmem>> -> memref<1x80xi32, #tpu.memory_space<vmem>>
        %dma_start3A_28 = tpu.memref_squeeze %dma_start3A_27 : memref<1x80xi32, #tpu.memory_space<vmem>> -> memref<80xi32, #tpu.memory_space<vmem>>
        %dma_start3A_29 = arith.constant 0 : i32
        %dma_start3A_30 = arith.constant 0 : i32
        %dma_start3A_31 = tpu.memref_slice %arg10[%dma_start3A_29, %dma_start3A_30] : memref<10000x128xf32, #tpu.memory_space<vmem_shared>> -> memref<10000x128xf32, #tpu.memory_space<vmem_shared>>
        tpu.enqueue_indirect_dma source(%dma_start3A_31 : memref<10000x128xf32, #tpu.memory_space<vmem_shared>>) target(%arg9 : memref<80x128xf32, #tpu.memory_space<vmem>>) offsets(%dma_start3A_28 : memref<80xi32, #tpu.memory_space<vmem>>) semaphore(%arg11 : memref<!tpu.dma_semaphore, #tpu.memory_space<semaphore_mem>>)
        %dma_wait3A = arith.constant 0 : i32
        %dma_wait3A_32 = tpu.memref_slice %arg8[%add3A_24, %dma_wait3A] : memref<125x80xi32, #tpu.memory_space<vmem>> -> memref<1x80xi32, #tpu.memory_space<vmem>>
        %dma_wait3A_33 = tpu.memref_squeeze %dma_wait3A_32 : memref<1x80xi32, #tpu.memory_space<vmem>> -> memref<80xi32, #tpu.memory_space<vmem>>
        %dma_wait3A_34 = arith.constant 0 : i32
        %dma_wait3A_35 = arith.constant 0 : i32
        %dma_wait3A_36 = tpu.memref_slice %arg10[%dma_wait3A_34, %dma_wait3A_35] : memref<10000x128xf32, #tpu.memory_space<vmem_shared>> -> memref<10000x128xf32, #tpu.memory_space<vmem_shared>>
        tpu.wait_indirect_dma semaphore(%arg11 : memref<!tpu.dma_semaphore, #tpu.memory_space<semaphore_mem>>) src(%dma_wait3A_36 : memref<10000x128xf32, #tpu.memory_space<vmem_shared>>) dst(%arg9 : memref<80x128xf32, #tpu.memory_space<vmem>>)
        %mul3A_37 = arith.constant 80 : i32
        %mul3A_38 = arith.muli %add3A_24, %mul3A_37 : i32
        "tpu.region"() ({
          %run_scoped3A = tpu.sem_alloc : memref<!tpu.dma_semaphore, #tpu.memory_space<semaphore_mem>>
          %dma_start3A_39 = arith.constant 0 : i32
          %dma_start3A_40 = tpu.memref_slice %arg6[%arg0, %mul3A_38, %dma_start3A_39] : memref<2x10000x128xf32, #tpu.memory_space<hbm>> -> memref<1x80x128xf32, #tpu.memory_space<hbm>>
          %dma_start3A_41 = tpu.memref_squeeze %dma_start3A_40 : memref<1x80x128xf32, #tpu.memory_space<hbm>> -> memref<80x128xf32, #tpu.memory_space<hbm>>
          %dma_start3A_42 = arith.constant 0 : i32
          %dma_start3A_43 = tpu.memref_slice %arg6[%arg0, %mul3A_38, %dma_start3A_42] : memref<2x10000x128xf32, #tpu.memory_space<hbm>> -> memref<1x80x128xf32, #tpu.memory_space<hbm>>
          %dma_start3A_44 = tpu.memref_squeeze %dma_start3A_43 : memref<1x80x128xf32, #tpu.memory_space<hbm>> -> memref<80x128xf32, #tpu.memory_space<hbm>>
          tpu.enqueue_dma source(%arg9 : memref<80x128xf32, #tpu.memory_space<vmem>>) target(%dma_start3A_44 : memref<80x128xf32, #tpu.memory_space<hbm>>) target_semaphore(%run_scoped3A : memref<!tpu.dma_semaphore, #tpu.memory_space<semaphore_mem>>)
          %dma_wait3A_45 = arith.constant 0 : i32
          %dma_wait3A_46 = tpu.memref_slice %arg6[%arg0, %mul3A_38, %dma_wait3A_45] : memref<2x10000x128xf32, #tpu.memory_space<hbm>> -> memref<1x80x128xf32, #tpu.memory_space<hbm>>
          %dma_wait3A_47 = tpu.memref_squeeze %dma_wait3A_46 : memref<1x80x128xf32, #tpu.memory_space<hbm>> -> memref<80x128xf32, #tpu.memory_space<hbm>>
          %dma_wait3A_48 = arith.constant 0 : i32
          %dma_wait3A_49 = tpu.memref_slice %arg6[%arg0, %mul3A_38, %dma_wait3A_48] : memref<2x10000x128xf32, #tpu.memory_space<hbm>> -> memref<1x80x128xf32, #tpu.memory_space<hbm>>
          %dma_wait3A_50 = tpu.memref_squeeze %dma_wait3A_49 : memref<1x80x128xf32, #tpu.memory_space<hbm>> -> memref<80x128xf32, #tpu.memory_space<hbm>>
          tpu.wait_dma2 semaphore(%run_scoped3A : memref<!tpu.dma_semaphore, #tpu.memory_space<semaphore_mem>>) src(%arg9 : memref<80x128xf32, #tpu.memory_space<vmem>>) dst(%dma_wait3A_50 : memref<80x128xf32, #tpu.memory_space<hbm>>)
          tpu.yield
        }) : () -> ()
      } else {
      }
    }
    %scan3A_20 = arith.constant 8 : i32
    return
  }
}

#map = affine_map<(d0, d1) -> (0, 0)>
#map1 = affine_map<(d0, d1) -> (0, 0, 0)>
module attributes {stable_mosaic.version = 14 : i64} {
  func.func @_gather_k(%arg0: i32, %arg1: i32, %arg2: memref<10000x256xf32, #tpu.memory_space<hbm>>, %arg3: memref<10000x128xf32, #tpu.memory_space<hbm>>, %arg4: memref<32x125x80xi32, #tpu.memory_space<hbm>>, %arg5: memref<32x125x80xi32, #tpu.memory_space<hbm>>, %arg6: memref<320000x256xf32, #tpu.memory_space<hbm>>, %arg7: memref<320000x128xf32, #tpu.memory_space<hbm>>, %arg8: memref<125x80xi32, #tpu.memory_space<vmem>>, %arg9: memref<125x80xi32, #tpu.memory_space<vmem>>, %arg10: memref<80x256xf32, #tpu.memory_space<vmem>>, %arg11: memref<80x128xf32, #tpu.memory_space<vmem>>, %arg12: memref<80x256xf32, #tpu.memory_space<vmem>>, %arg13: memref<80x128xf32, #tpu.memory_space<vmem>>, %arg14: memref<!tpu.dma_semaphore, #tpu.memory_space<semaphore_mem>>, %arg15: memref<!tpu.dma_semaphore, #tpu.memory_space<semaphore_mem>>, %arg16: memref<!tpu.dma_semaphore, #tpu.memory_space<semaphore_mem>>, %arg17: memref<!tpu.dma_semaphore, #tpu.memory_space<semaphore_mem>>) attributes {dimension_semantics = [#tpu.dimension_semantics<core_parallel>, #tpu.dimension_semantics<subcore_parallel>], iteration_bounds = array<i64: 2, 16>, scalar_prefetch = 0 : i64, scratch_operands = 10 : i64, tpu.core_type = #tpu.core_type<sc_vector_subcore>, window_params = [{transform_indices = #map}, {transform_indices = #map}, {transform_indices = #map1}, {transform_indices = #map1}, {transform_indices = #map}, {transform_indices = #map}]} {
    %mul3A = arith.constant 2 : i32
    %mul3A_0 = arith.muli %arg1, %mul3A : i32
    %add3A = arith.addi %mul3A_0, %arg0 : i32
    %mul3A_1 = arith.constant 10000 : i32
    %mul3A_2 = arith.muli %add3A, %mul3A_1 : i32
    "tpu.region"() ({
      %run_scoped3A = tpu.sem_alloc : memref<!tpu.dma_semaphore, #tpu.memory_space<semaphore_mem>>
      %dma_start3A_38 = arith.constant 0 : i32
      %dma_start3A_39 = arith.constant 0 : i32
      %dma_start3A_40 = tpu.memref_slice %arg4[%add3A, %dma_start3A_38, %dma_start3A_39] : memref<32x125x80xi32, #tpu.memory_space<hbm>> -> memref<1x125x80xi32, #tpu.memory_space<hbm>>
      %dma_start3A_41 = tpu.memref_squeeze %dma_start3A_40 : memref<1x125x80xi32, #tpu.memory_space<hbm>> -> memref<125x80xi32, #tpu.memory_space<hbm>>
      %dma_start3A_42 = arith.constant 0 : i32
      %dma_start3A_43 = arith.constant 0 : i32
      %dma_start3A_44 = tpu.memref_slice %arg4[%add3A, %dma_start3A_42, %dma_start3A_43] : memref<32x125x80xi32, #tpu.memory_space<hbm>> -> memref<1x125x80xi32, #tpu.memory_space<hbm>>
      %dma_start3A_45 = tpu.memref_squeeze %dma_start3A_44 : memref<1x125x80xi32, #tpu.memory_space<hbm>> -> memref<125x80xi32, #tpu.memory_space<hbm>>
      tpu.enqueue_dma source(%dma_start3A_45 : memref<125x80xi32, #tpu.memory_space<hbm>>) target(%arg8 : memref<125x80xi32, #tpu.memory_space<vmem>>) target_semaphore(%run_scoped3A : memref<!tpu.dma_semaphore, #tpu.memory_space<semaphore_mem>>)
      %dma_wait3A_46 = arith.constant 0 : i32
      %dma_wait3A_47 = arith.constant 0 : i32
      %dma_wait3A_48 = tpu.memref_slice %arg4[%add3A, %dma_wait3A_46, %dma_wait3A_47] : memref<32x125x80xi32, #tpu.memory_space<hbm>> -> memref<1x125x80xi32, #tpu.memory_space<hbm>>
      %dma_wait3A_49 = tpu.memref_squeeze %dma_wait3A_48 : memref<1x125x80xi32, #tpu.memory_space<hbm>> -> memref<125x80xi32, #tpu.memory_space<hbm>>
      %dma_wait3A_50 = arith.constant 0 : i32
      %dma_wait3A_51 = arith.constant 0 : i32
      %dma_wait3A_52 = tpu.memref_slice %arg4[%add3A, %dma_wait3A_50, %dma_wait3A_51] : memref<32x125x80xi32, #tpu.memory_space<hbm>> -> memref<1x125x80xi32, #tpu.memory_space<hbm>>
      %dma_wait3A_53 = tpu.memref_squeeze %dma_wait3A_52 : memref<1x125x80xi32, #tpu.memory_space<hbm>> -> memref<125x80xi32, #tpu.memory_space<hbm>>
      tpu.wait_dma2 semaphore(%run_scoped3A : memref<!tpu.dma_semaphore, #tpu.memory_space<semaphore_mem>>) src(%dma_wait3A_53 : memref<125x80xi32, #tpu.memory_space<hbm>>) dst(%arg8 : memref<125x80xi32, #tpu.memory_space<vmem>>)
      tpu.yield
    }) : () -> ()
    "tpu.region"() ({
      %run_scoped3A = tpu.sem_alloc : memref<!tpu.dma_semaphore, #tpu.memory_space<semaphore_mem>>
      %dma_start3A_38 = arith.constant 0 : i32
      %dma_start3A_39 = arith.constant 0 : i32
      %dma_start3A_40 = tpu.memref_slice %arg5[%add3A, %dma_start3A_38, %dma_start3A_39] : memref<32x125x80xi32, #tpu.memory_space<hbm>> -> memref<1x125x80xi32, #tpu.memory_space<hbm>>
      %dma_start3A_41 = tpu.memref_squeeze %dma_start3A_40 : memref<1x125x80xi32, #tpu.memory_space<hbm>> -> memref<125x80xi32, #tpu.memory_space<hbm>>
      %dma_start3A_42 = arith.constant 0 : i32
      %dma_start3A_43 = arith.constant 0 : i32
      %dma_start3A_44 = tpu.memref_slice %arg5[%add3A, %dma_start3A_42, %dma_start3A_43] : memref<32x125x80xi32, #tpu.memory_space<hbm>> -> memref<1x125x80xi32, #tpu.memory_space<hbm>>
      %dma_start3A_45 = tpu.memref_squeeze %dma_start3A_44 : memref<1x125x80xi32, #tpu.memory_space<hbm>> -> memref<125x80xi32, #tpu.memory_space<hbm>>
      tpu.enqueue_dma source(%dma_start3A_45 : memref<125x80xi32, #tpu.memory_space<hbm>>) target(%arg9 : memref<125x80xi32, #tpu.memory_space<vmem>>) target_semaphore(%run_scoped3A : memref<!tpu.dma_semaphore, #tpu.memory_space<semaphore_mem>>)
      %dma_wait3A_46 = arith.constant 0 : i32
      %dma_wait3A_47 = arith.constant 0 : i32
      %dma_wait3A_48 = tpu.memref_slice %arg5[%add3A, %dma_wait3A_46, %dma_wait3A_47] : memref<32x125x80xi32, #tpu.memory_space<hbm>> -> memref<1x125x80xi32, #tpu.memory_space<hbm>>
      %dma_wait3A_49 = tpu.memref_squeeze %dma_wait3A_48 : memref<1x125x80xi32, #tpu.memory_space<hbm>> -> memref<125x80xi32, #tpu.memory_space<hbm>>
      %dma_wait3A_50 = arith.constant 0 : i32
      %dma_wait3A_51 = arith.constant 0 : i32
      %dma_wait3A_52 = tpu.memref_slice %arg5[%add3A, %dma_wait3A_50, %dma_wait3A_51] : memref<32x125x80xi32, #tpu.memory_space<hbm>> -> memref<1x125x80xi32, #tpu.memory_space<hbm>>
      %dma_wait3A_53 = tpu.memref_squeeze %dma_wait3A_52 : memref<1x125x80xi32, #tpu.memory_space<hbm>> -> memref<125x80xi32, #tpu.memory_space<hbm>>
      tpu.wait_dma2 semaphore(%run_scoped3A : memref<!tpu.dma_semaphore, #tpu.memory_space<semaphore_mem>>) src(%dma_wait3A_53 : memref<125x80xi32, #tpu.memory_space<hbm>>) dst(%arg9 : memref<125x80xi32, #tpu.memory_space<vmem>>)
      tpu.yield
    }) : () -> ()
    %dma_start3A = arith.constant 0 : i32
    %dma_start3A_3 = arith.constant 0 : i32
    %dma_start3A_4 = tpu.memref_slice %arg8[%dma_start3A, %dma_start3A_3] : memref<125x80xi32, #tpu.memory_space<vmem>> -> memref<1x80xi32, #tpu.memory_space<vmem>>
    %dma_start3A_5 = tpu.memref_squeeze %dma_start3A_4 : memref<1x80xi32, #tpu.memory_space<vmem>> -> memref<80xi32, #tpu.memory_space<vmem>>
    %dma_start3A_6 = arith.constant 0 : i32
    %dma_start3A_7 = arith.constant 0 : i32
    %dma_start3A_8 = tpu.memref_slice %arg2[%dma_start3A_6, %dma_start3A_7] : memref<10000x256xf32, #tpu.memory_space<hbm>> -> memref<10000x256xf32, #tpu.memory_space<hbm>>
    tpu.enqueue_indirect_dma source(%dma_start3A_8 : memref<10000x256xf32, #tpu.memory_space<hbm>>) target(%arg10 : memref<80x256xf32, #tpu.memory_space<vmem>>) offsets(%dma_start3A_5 : memref<80xi32, #tpu.memory_space<vmem>>) semaphore(%arg14 : memref<!tpu.dma_semaphore, #tpu.memory_space<semaphore_mem>>)
    %dma_start3A_9 = arith.constant 0 : i32
    %dma_start3A_10 = arith.constant 0 : i32
    %dma_start3A_11 = tpu.memref_slice %arg9[%dma_start3A_9, %dma_start3A_10] : memref<125x80xi32, #tpu.memory_space<vmem>> -> memref<1x80xi32, #tpu.memory_space<vmem>>
    %dma_start3A_12 = tpu.memref_squeeze %dma_start3A_11 : memref<1x80xi32, #tpu.memory_space<vmem>> -> memref<80xi32, #tpu.memory_space<vmem>>
    %dma_start3A_13 = arith.constant 0 : i32
    %dma_start3A_14 = arith.constant 0 : i32
    %dma_start3A_15 = tpu.memref_slice %arg3[%dma_start3A_13, %dma_start3A_14] : memref<10000x128xf32, #tpu.memory_space<hbm>> -> memref<10000x128xf32, #tpu.memory_space<hbm>>
    tpu.enqueue_indirect_dma source(%dma_start3A_15 : memref<10000x128xf32, #tpu.memory_space<hbm>>) target(%arg11 : memref<80x128xf32, #tpu.memory_space<vmem>>) offsets(%dma_start3A_12 : memref<80xi32, #tpu.memory_space<vmem>>) semaphore(%arg15 : memref<!tpu.dma_semaphore, #tpu.memory_space<semaphore_mem>>)
    %scan3A = arith.constant 0 : i32
    %scan3A_16 = arith.constant 0 : i32
    %scan3A_17 = arith.constant 62 : i32
    %scan3A_18 = arith.addi %scan3A_16, %scan3A_17 : i32
    %scan3A_19 = arith.constant 1 : i32
    scf.for %scan3A_38 = %scan3A_16 to %scan3A_18 step %scan3A_19  : i32 {
      %mul3A_39 = arith.constant 2 : i32
      %mul3A_40 = arith.muli %mul3A_39, %scan3A_38 : i32
      %add3A_41 = arith.constant 1 : i32
      %add3A_42 = arith.addi %mul3A_40, %add3A_41 : i32
      %dma_start3A_43 = arith.constant 0 : i32
      %dma_start3A_44 = tpu.memref_slice %arg8[%add3A_42, %dma_start3A_43] : memref<125x80xi32, #tpu.memory_space<vmem>> -> memref<1x80xi32, #tpu.memory_space<vmem>>
      %dma_start3A_45 = tpu.memref_squeeze %dma_start3A_44 : memref<1x80xi32, #tpu.memory_space<vmem>> -> memref<80xi32, #tpu.memory_space<vmem>>
      %dma_start3A_46 = arith.constant 0 : i32
      %dma_start3A_47 = arith.constant 0 : i32
      %dma_start3A_48 = tpu.memref_slice %arg2[%dma_start3A_46, %dma_start3A_47] : memref<10000x256xf32, #tpu.memory_space<hbm>> -> memref<10000x256xf32, #tpu.memory_space<hbm>>
      tpu.enqueue_indirect_dma source(%dma_start3A_48 : memref<10000x256xf32, #tpu.memory_space<hbm>>) target(%arg12 : memref<80x256xf32, #tpu.memory_space<vmem>>) offsets(%dma_start3A_45 : memref<80xi32, #tpu.memory_space<vmem>>) semaphore(%arg16 : memref<!tpu.dma_semaphore, #tpu.memory_space<semaphore_mem>>)
      %dma_start3A_49 = arith.constant 0 : i32
      %dma_start3A_50 = tpu.memref_slice %arg9[%add3A_42, %dma_start3A_49] : memref<125x80xi32, #tpu.memory_space<vmem>> -> memref<1x80xi32, #tpu.memory_space<vmem>>
      %dma_start3A_51 = tpu.memref_squeeze %dma_start3A_50 : memref<1x80xi32, #tpu.memory_space<vmem>> -> memref<80xi32, #tpu.memory_space<vmem>>
      %dma_start3A_52 = arith.constant 0 : i32
      %dma_start3A_53 = arith.constant 0 : i32
      %dma_start3A_54 = tpu.memref_slice %arg3[%dma_start3A_52, %dma_start3A_53] : memref<10000x128xf32, #tpu.memory_space<hbm>> -> memref<10000x128xf32, #tpu.memory_space<hbm>>
      tpu.enqueue_indirect_dma source(%dma_start3A_54 : memref<10000x128xf32, #tpu.memory_space<hbm>>) target(%arg13 : memref<80x128xf32, #tpu.memory_space<vmem>>) offsets(%dma_start3A_51 : memref<80xi32, #tpu.memory_space<vmem>>) semaphore(%arg17 : memref<!tpu.dma_semaphore, #tpu.memory_space<semaphore_mem>>)
      %dma_wait3A_55 = arith.constant 0 : i32
      %dma_wait3A_56 = tpu.memref_slice %arg8[%mul3A_40, %dma_wait3A_55] : memref<125x80xi32, #tpu.memory_space<vmem>> -> memref<1x80xi32, #tpu.memory_space<vmem>>
      %dma_wait3A_57 = tpu.memref_squeeze %dma_wait3A_56 : memref<1x80xi32, #tpu.memory_space<vmem>> -> memref<80xi32, #tpu.memory_space<vmem>>
      %dma_wait3A_58 = arith.constant 0 : i32
      %dma_wait3A_59 = arith.constant 0 : i32
      %dma_wait3A_60 = tpu.memref_slice %arg2[%dma_wait3A_58, %dma_wait3A_59] : memref<10000x256xf32, #tpu.memory_space<hbm>> -> memref<10000x256xf32, #tpu.memory_space<hbm>>
      tpu.wait_indirect_dma semaphore(%arg14 : memref<!tpu.dma_semaphore, #tpu.memory_space<semaphore_mem>>) src(%dma_wait3A_60 : memref<10000x256xf32, #tpu.memory_space<hbm>>) dst(%arg10 : memref<80x256xf32, #tpu.memory_space<vmem>>)
      %dma_wait3A_61 = arith.constant 0 : i32
      %dma_wait3A_62 = tpu.memref_slice %arg9[%mul3A_40, %dma_wait3A_61] : memref<125x80xi32, #tpu.memory_space<vmem>> -> memref<1x80xi32, #tpu.memory_space<vmem>>
      %dma_wait3A_63 = tpu.memref_squeeze %dma_wait3A_62 : memref<1x80xi32, #tpu.memory_space<vmem>> -> memref<80xi32, #tpu.memory_space<vmem>>
      %dma_wait3A_64 = arith.constant 0 : i32
      %dma_wait3A_65 = arith.constant 0 : i32
      %dma_wait3A_66 = tpu.memref_slice %arg3[%dma_wait3A_64, %dma_wait3A_65] : memref<10000x128xf32, #tpu.memory_space<hbm>> -> memref<10000x128xf32, #tpu.memory_space<hbm>>
      tpu.wait_indirect_dma semaphore(%arg15 : memref<!tpu.dma_semaphore, #tpu.memory_space<semaphore_mem>>) src(%dma_wait3A_66 : memref<10000x128xf32, #tpu.memory_space<hbm>>) dst(%arg11 : memref<80x128xf32, #tpu.memory_space<vmem>>)
      %mul3A_67 = arith.constant 80 : i32
      %mul3A_68 = arith.muli %mul3A_40, %mul3A_67 : i32
      %add3A_69 = arith.addi %mul3A_2, %mul3A_68 : i32
      "tpu.region"() ({
        %run_scoped3A = tpu.sem_alloc : memref<!tpu.dma_semaphore, #tpu.memory_space<semaphore_mem>>
        %dma_start3A_107 = arith.constant 0 : i32
        %dma_start3A_108 = tpu.memref_slice %arg6[%add3A_69, %dma_start3A_107] : memref<320000x256xf32, #tpu.memory_space<hbm>> -> memref<80x256xf32, #tpu.memory_space<hbm>>
        %dma_start3A_109 = arith.constant 0 : i32
        %dma_start3A_110 = tpu.memref_slice %arg6[%add3A_69, %dma_start3A_109] : memref<320000x256xf32, #tpu.memory_space<hbm>> -> memref<80x256xf32, #tpu.memory_space<hbm>>
        tpu.enqueue_dma source(%arg10 : memref<80x256xf32, #tpu.memory_space<vmem>>) target(%dma_start3A_110 : memref<80x256xf32, #tpu.memory_space<hbm>>) target_semaphore(%run_scoped3A : memref<!tpu.dma_semaphore, #tpu.memory_space<semaphore_mem>>)
        %dma_wait3A_111 = arith.constant 0 : i32
        %dma_wait3A_112 = tpu.memref_slice %arg6[%add3A_69, %dma_wait3A_111] : memref<320000x256xf32, #tpu.memory_space<hbm>> -> memref<80x256xf32, #tpu.memory_space<hbm>>
        %dma_wait3A_113 = arith.constant 0 : i32
        %dma_wait3A_114 = tpu.memref_slice %arg6[%add3A_69, %dma_wait3A_113] : memref<320000x256xf32, #tpu.memory_space<hbm>> -> memref<80x256xf32, #tpu.memory_space<hbm>>
        tpu.wait_dma2 semaphore(%run_scoped3A : memref<!tpu.dma_semaphore, #tpu.memory_space<semaphore_mem>>) src(%arg10 : memref<80x256xf32, #tpu.memory_space<vmem>>) dst(%dma_wait3A_114 : memref<80x256xf32, #tpu.memory_space<hbm>>)
        tpu.yield
      }) : () -> ()
      %mul3A_70 = arith.constant 80 : i32
      %mul3A_71 = arith.muli %mul3A_40, %mul3A_70 : i32
      %add3A_72 = arith.addi %mul3A_2, %mul3A_71 : i32
      "tpu.region"() ({
        %run_scoped3A = tpu.sem_alloc : memref<!tpu.dma_semaphore, #tpu.memory_space<semaphore_mem>>
        %dma_start3A_107 = arith.constant 0 : i32
        %dma_start3A_108 = tpu.memref_slice %arg7[%add3A_72, %dma_start3A_107] : memref<320000x128xf32, #tpu.memory_space<hbm>> -> memref<80x128xf32, #tpu.memory_space<hbm>>
        %dma_start3A_109 = arith.constant 0 : i32
        %dma_start3A_110 = tpu.memref_slice %arg7[%add3A_72, %dma_start3A_109] : memref<320000x128xf32, #tpu.memory_space<hbm>> -> memref<80x128xf32, #tpu.memory_space<hbm>>
        tpu.enqueue_dma source(%arg11 : memref<80x128xf32, #tpu.memory_space<vmem>>) target(%dma_start3A_110 : memref<80x128xf32, #tpu.memory_space<hbm>>) target_semaphore(%run_scoped3A : memref<!tpu.dma_semaphore, #tpu.memory_space<semaphore_mem>>)
        %dma_wait3A_111 = arith.constant 0 : i32
        %dma_wait3A_112 = tpu.memref_slice %arg7[%add3A_72, %dma_wait3A_111] : memref<320000x128xf32, #tpu.memory_space<hbm>> -> memref<80x128xf32, #tpu.memory_space<hbm>>
        %dma_wait3A_113 = arith.constant 0 : i32
        %dma_wait3A_114 = tpu.memref_slice %arg7[%add3A_72, %dma_wait3A_113] : memref<320000x128xf32, #tpu.memory_space<hbm>> -> memref<80x128xf32, #tpu.memory_space<hbm>>
        tpu.wait_dma2 semaphore(%run_scoped3A : memref<!tpu.dma_semaphore, #tpu.memory_space<semaphore_mem>>) src(%arg11 : memref<80x128xf32, #tpu.memory_space<vmem>>) dst(%dma_wait3A_114 : memref<80x128xf32, #tpu.memory_space<hbm>>)
        tpu.yield
      }) : () -> ()
      %add3A_73 = arith.constant 2 : i32
      %add3A_74 = arith.addi %mul3A_40, %add3A_73 : i32
      %dma_start3A_75 = arith.constant 0 : i32
      %dma_start3A_76 = tpu.memref_slice %arg8[%add3A_74, %dma_start3A_75] : memref<125x80xi32, #tpu.memory_space<vmem>> -> memref<1x80xi32, #tpu.memory_space<vmem>>
      %dma_start3A_77 = tpu.memref_squeeze %dma_start3A_76 : memref<1x80xi32, #tpu.memory_space<vmem>> -> memref<80xi32, #tpu.memory_space<vmem>>
      %dma_start3A_78 = arith.constant 0 : i32
      %dma_start3A_79 = arith.constant 0 : i32
      %dma_start3A_80 = tpu.memref_slice %arg2[%dma_start3A_78, %dma_start3A_79] : memref<10000x256xf32, #tpu.memory_space<hbm>> -> memref<10000x256xf32, #tpu.memory_space<hbm>>
      tpu.enqueue_indirect_dma source(%dma_start3A_80 : memref<10000x256xf32, #tpu.memory_space<hbm>>) target(%arg10 : memref<80x256xf32, #tpu.memory_space<vmem>>) offsets(%dma_start3A_77 : memref<80xi32, #tpu.memory_space<vmem>>) semaphore(%arg14 : memref<!tpu.dma_semaphore, #tpu.memory_space<semaphore_mem>>)
      %dma_start3A_81 = arith.constant 0 : i32
      %dma_start3A_82 = tpu.memref_slice %arg9[%add3A_74, %dma_start3A_81] : memref<125x80xi32, #tpu.memory_space<vmem>> -> memref<1x80xi32, #tpu.memory_space<vmem>>
      %dma_start3A_83 = tpu.memref_squeeze %dma_start3A_82 : memref<1x80xi32, #tpu.memory_space<vmem>> -> memref<80xi32, #tpu.memory_space<vmem>>
      %dma_start3A_84 = arith.constant 0 : i32
      %dma_start3A_85 = arith.constant 0 : i32
      %dma_start3A_86 = tpu.memref_slice %arg3[%dma_start3A_84, %dma_start3A_85] : memref<10000x128xf32, #tpu.memory_space<hbm>> -> memref<10000x128xf32, #tpu.memory_space<hbm>>
      tpu.enqueue_indirect_dma source(%dma_start3A_86 : memref<10000x128xf32, #tpu.memory_space<hbm>>) target(%arg11 : memref<80x128xf32, #tpu.memory_space<vmem>>) offsets(%dma_start3A_83 : memref<80xi32, #tpu.memory_space<vmem>>) semaphore(%arg15 : memref<!tpu.dma_semaphore, #tpu.memory_space<semaphore_mem>>)
      %add3A_87 = arith.constant 1 : i32
      %add3A_88 = arith.addi %mul3A_40, %add3A_87 : i32
      %dma_wait3A_89 = arith.constant 0 : i32
      %dma_wait3A_90 = tpu.memref_slice %arg8[%add3A_88, %dma_wait3A_89] : memref<125x80xi32, #tpu.memory_space<vmem>> -> memref<1x80xi32, #tpu.memory_space<vmem>>
      %dma_wait3A_91 = tpu.memref_squeeze %dma_wait3A_90 : memref<1x80xi32, #tpu.memory_space<vmem>> -> memref<80xi32, #tpu.memory_space<vmem>>
      %dma_wait3A_92 = arith.constant 0 : i32
      %dma_wait3A_93 = arith.constant 0 : i32
      %dma_wait3A_94 = tpu.memref_slice %arg2[%dma_wait3A_92, %dma_wait3A_93] : memref<10000x256xf32, #tpu.memory_space<hbm>> -> memref<10000x256xf32, #tpu.memory_space<hbm>>
      tpu.wait_indirect_dma semaphore(%arg16 : memref<!tpu.dma_semaphore, #tpu.memory_space<semaphore_mem>>) src(%dma_wait3A_94 : memref<10000x256xf32, #tpu.memory_space<hbm>>) dst(%arg12 : memref<80x256xf32, #tpu.memory_space<vmem>>)
      %dma_wait3A_95 = arith.constant 0 : i32
      %dma_wait3A_96 = tpu.memref_slice %arg9[%add3A_88, %dma_wait3A_95] : memref<125x80xi32, #tpu.memory_space<vmem>> -> memref<1x80xi32, #tpu.memory_space<vmem>>
      %dma_wait3A_97 = tpu.memref_squeeze %dma_wait3A_96 : memref<1x80xi32, #tpu.memory_space<vmem>> -> memref<80xi32, #tpu.memory_space<vmem>>
      %dma_wait3A_98 = arith.constant 0 : i32
      %dma_wait3A_99 = arith.constant 0 : i32
      %dma_wait3A_100 = tpu.memref_slice %arg3[%dma_wait3A_98, %dma_wait3A_99] : memref<10000x128xf32, #tpu.memory_space<hbm>> -> memref<10000x128xf32, #tpu.memory_space<hbm>>
      tpu.wait_indirect_dma semaphore(%arg17 : memref<!tpu.dma_semaphore, #tpu.memory_space<semaphore_mem>>) src(%dma_wait3A_100 : memref<10000x128xf32, #tpu.memory_space<hbm>>) dst(%arg13 : memref<80x128xf32, #tpu.memory_space<vmem>>)
      %mul3A_101 = arith.constant 80 : i32
      %mul3A_102 = arith.muli %add3A_88, %mul3A_101 : i32
      %add3A_103 = arith.addi %mul3A_2, %mul3A_102 : i32
      "tpu.region"() ({
        %run_scoped3A = tpu.sem_alloc : memref<!tpu.dma_semaphore, #tpu.memory_space<semaphore_mem>>
        %dma_start3A_107 = arith.constant 0 : i32
        %dma_start3A_108 = tpu.memref_slice %arg6[%add3A_103, %dma_start3A_107] : memref<320000x256xf32, #tpu.memory_space<hbm>> -> memref<80x256xf32, #tpu.memory_space<hbm>>
        %dma_start3A_109 = arith.constant 0 : i32
        %dma_start3A_110 = tpu.memref_slice %arg6[%add3A_103, %dma_start3A_109] : memref<320000x256xf32, #tpu.memory_space<hbm>> -> memref<80x256xf32, #tpu.memory_space<hbm>>
        tpu.enqueue_dma source(%arg12 : memref<80x256xf32, #tpu.memory_space<vmem>>) target(%dma_start3A_110 : memref<80x256xf32, #tpu.memory_space<hbm>>) target_semaphore(%run_scoped3A : memref<!tpu.dma_semaphore, #tpu.memory_space<semaphore_mem>>)
        %dma_wait3A_111 = arith.constant 0 : i32
        %dma_wait3A_112 = tpu.memref_slice %arg6[%add3A_103, %dma_wait3A_111] : memref<320000x256xf32, #tpu.memory_space<hbm>> -> memref<80x256xf32, #tpu.memory_space<hbm>>
        %dma_wait3A_113 = arith.constant 0 : i32
        %dma_wait3A_114 = tpu.memref_slice %arg6[%add3A_103, %dma_wait3A_113] : memref<320000x256xf32, #tpu.memory_space<hbm>> -> memref<80x256xf32, #tpu.memory_space<hbm>>
        tpu.wait_dma2 semaphore(%run_scoped3A : memref<!tpu.dma_semaphore, #tpu.memory_space<semaphore_mem>>) src(%arg12 : memref<80x256xf32, #tpu.memory_space<vmem>>) dst(%dma_wait3A_114 : memref<80x256xf32, #tpu.memory_space<hbm>>)
        tpu.yield
      }) : () -> ()
      %mul3A_104 = arith.constant 80 : i32
      %mul3A_105 = arith.muli %add3A_88, %mul3A_104 : i32
      %add3A_106 = arith.addi %mul3A_2, %mul3A_105 : i32
      "tpu.region"() ({
        %run_scoped3A = tpu.sem_alloc : memref<!tpu.dma_semaphore, #tpu.memory_space<semaphore_mem>>
        %dma_start3A_107 = arith.constant 0 : i32
        %dma_start3A_108 = tpu.memref_slice %arg7[%add3A_106, %dma_start3A_107] : memref<320000x128xf32, #tpu.memory_space<hbm>> -> memref<80x128xf32, #tpu.memory_space<hbm>>
        %dma_start3A_109 = arith.constant 0 : i32
        %dma_start3A_110 = tpu.memref_slice %arg7[%add3A_106, %dma_start3A_109] : memref<320000x128xf32, #tpu.memory_space<hbm>> -> memref<80x128xf32, #tpu.memory_space<hbm>>
        tpu.enqueue_dma source(%arg13 : memref<80x128xf32, #tpu.memory_space<vmem>>) target(%dma_start3A_110 : memref<80x128xf32, #tpu.memory_space<hbm>>) target_semaphore(%run_scoped3A : memref<!tpu.dma_semaphore, #tpu.memory_space<semaphore_mem>>)
        %dma_wait3A_111 = arith.constant 0 : i32
        %dma_wait3A_112 = tpu.memref_slice %arg7[%add3A_106, %dma_wait3A_111] : memref<320000x128xf32, #tpu.memory_space<hbm>> -> memref<80x128xf32, #tpu.memory_space<hbm>>
        %dma_wait3A_113 = arith.constant 0 : i32
        %dma_wait3A_114 = tpu.memref_slice %arg7[%add3A_106, %dma_wait3A_113] : memref<320000x128xf32, #tpu.memory_space<hbm>> -> memref<80x128xf32, #tpu.memory_space<hbm>>
        tpu.wait_dma2 semaphore(%run_scoped3A : memref<!tpu.dma_semaphore, #tpu.memory_space<semaphore_mem>>) src(%arg13 : memref<80x128xf32, #tpu.memory_space<vmem>>) dst(%dma_wait3A_114 : memref<80x128xf32, #tpu.memory_space<hbm>>)
        tpu.yield
      }) : () -> ()
    }
    %scan3A_20 = arith.constant 62 : i32
    %dma_wait3A = arith.constant 124 : i32
    %dma_wait3A_21 = arith.constant 0 : i32
    %dma_wait3A_22 = tpu.memref_slice %arg8[%dma_wait3A, %dma_wait3A_21] : memref<125x80xi32, #tpu.memory_space<vmem>> -> memref<1x80xi32, #tpu.memory_space<vmem>>
    %dma_wait3A_23 = tpu.memref_squeeze %dma_wait3A_22 : memref<1x80xi32, #tpu.memory_space<vmem>> -> memref<80xi32, #tpu.memory_space<vmem>>
    %dma_wait3A_24 = arith.constant 0 : i32
    %dma_wait3A_25 = arith.constant 0 : i32
    %dma_wait3A_26 = tpu.memref_slice %arg2[%dma_wait3A_24, %dma_wait3A_25] : memref<10000x256xf32, #tpu.memory_space<hbm>> -> memref<10000x256xf32, #tpu.memory_space<hbm>>
    tpu.wait_indirect_dma semaphore(%arg14 : memref<!tpu.dma_semaphore, #tpu.memory_space<semaphore_mem>>) src(%dma_wait3A_26 : memref<10000x256xf32, #tpu.memory_space<hbm>>) dst(%arg10 : memref<80x256xf32, #tpu.memory_space<vmem>>)
    %dma_wait3A_27 = arith.constant 124 : i32
    %dma_wait3A_28 = arith.constant 0 : i32
    %dma_wait3A_29 = tpu.memref_slice %arg9[%dma_wait3A_27, %dma_wait3A_28] : memref<125x80xi32, #tpu.memory_space<vmem>> -> memref<1x80xi32, #tpu.memory_space<vmem>>
    %dma_wait3A_30 = tpu.memref_squeeze %dma_wait3A_29 : memref<1x80xi32, #tpu.memory_space<vmem>> -> memref<80xi32, #tpu.memory_space<vmem>>
    %dma_wait3A_31 = arith.constant 0 : i32
    %dma_wait3A_32 = arith.constant 0 : i32
    %dma_wait3A_33 = tpu.memref_slice %arg3[%dma_wait3A_31, %dma_wait3A_32] : memref<10000x128xf32, #tpu.memory_space<hbm>> -> memref<10000x128xf32, #tpu.memory_space<hbm>>
    tpu.wait_indirect_dma semaphore(%arg15 : memref<!tpu.dma_semaphore, #tpu.memory_space<semaphore_mem>>) src(%dma_wait3A_33 : memref<10000x128xf32, #tpu.memory_space<hbm>>) dst(%arg11 : memref<80x128xf32, #tpu.memory_space<vmem>>)
    %add3A_34 = arith.constant 9920 : i32
    %add3A_35 = arith.addi %mul3A_2, %add3A_34 : i32
    "tpu.region"() ({
      %run_scoped3A = tpu.sem_alloc : memref<!tpu.dma_semaphore, #tpu.memory_space<semaphore_mem>>
      %dma_start3A_38 = arith.constant 0 : i32
      %dma_start3A_39 = tpu.memref_slice %arg6[%add3A_35, %dma_start3A_38] : memref<320000x256xf32, #tpu.memory_space<hbm>> -> memref<80x256xf32, #tpu.memory_space<hbm>>
      %dma_start3A_40 = arith.constant 0 : i32
      %dma_start3A_41 = tpu.memref_slice %arg6[%add3A_35, %dma_start3A_40] : memref<320000x256xf32, #tpu.memory_space<hbm>> -> memref<80x256xf32, #tpu.memory_space<hbm>>
      tpu.enqueue_dma source(%arg10 : memref<80x256xf32, #tpu.memory_space<vmem>>) target(%dma_start3A_41 : memref<80x256xf32, #tpu.memory_space<hbm>>) target_semaphore(%run_scoped3A : memref<!tpu.dma_semaphore, #tpu.memory_space<semaphore_mem>>)
      %dma_wait3A_42 = arith.constant 0 : i32
      %dma_wait3A_43 = tpu.memref_slice %arg6[%add3A_35, %dma_wait3A_42] : memref<320000x256xf32, #tpu.memory_space<hbm>> -> memref<80x256xf32, #tpu.memory_space<hbm>>
      %dma_wait3A_44 = arith.constant 0 : i32
      %dma_wait3A_45 = tpu.memref_slice %arg6[%add3A_35, %dma_wait3A_44] : memref<320000x256xf32, #tpu.memory_space<hbm>> -> memref<80x256xf32, #tpu.memory_space<hbm>>
      tpu.wait_dma2 semaphore(%run_scoped3A : memref<!tpu.dma_semaphore, #tpu.memory_space<semaphore_mem>>) src(%arg10 : memref<80x256xf32, #tpu.memory_space<vmem>>) dst(%dma_wait3A_45 : memref<80x256xf32, #tpu.memory_space<hbm>>)
      tpu.yield
    }) : () -> ()
    %add3A_36 = arith.constant 9920 : i32
    %add3A_37 = arith.addi %mul3A_2, %add3A_36 : i32
    "tpu.region"() ({
      %run_scoped3A = tpu.sem_alloc : memref<!tpu.dma_semaphore, #tpu.memory_space<semaphore_mem>>
      %dma_start3A_38 = arith.constant 0 : i32
      %dma_start3A_39 = tpu.memref_slice %arg7[%add3A_37, %dma_start3A_38] : memref<320000x128xf32, #tpu.memory_space<hbm>> -> memref<80x128xf32, #tpu.memory_space<hbm>>
      %dma_start3A_40 = arith.constant 0 : i32
      %dma_start3A_41 = tpu.memref_slice %arg7[%add3A_37, %dma_start3A_40] : memref<320000x128xf32, #tpu.memory_space<hbm>> -> memref<80x128xf32, #tpu.memory_space<hbm>>
      tpu.enqueue_dma source(%arg11 : memref<80x128xf32, #tpu.memory_space<vmem>>) target(%dma_start3A_41 : memref<80x128xf32, #tpu.memory_space<hbm>>) target_semaphore(%run_scoped3A : memref<!tpu.dma_semaphore, #tpu.memory_space<semaphore_mem>>)
      %dma_wait3A_42 = arith.constant 0 : i32
      %dma_wait3A_43 = tpu.memref_slice %arg7[%add3A_37, %dma_wait3A_42] : memref<320000x128xf32, #tpu.memory_space<hbm>> -> memref<80x128xf32, #tpu.memory_space<hbm>>
      %dma_wait3A_44 = arith.constant 0 : i32
      %dma_wait3A_45 = tpu.memref_slice %arg7[%add3A_37, %dma_wait3A_44] : memref<320000x128xf32, #tpu.memory_space<hbm>> -> memref<80x128xf32, #tpu.memory_space<hbm>>
      tpu.wait_dma2 semaphore(%run_scoped3A : memref<!tpu.dma_semaphore, #tpu.memory_space<semaphore_mem>>) src(%arg11 : memref<80x128xf32, #tpu.memory_space<vmem>>) dst(%dma_wait3A_45 : memref<80x128xf32, #tpu.memory_space<hbm>>)
      tpu.yield
    }) : () -> ()
    return
  }
}

#map = affine_map<(d0, d1) -> (0, 0)>
#map1 = affine_map<(d0, d1) -> (0, 0, 0)>
module attributes {stable_mosaic.version = 14 : i64} {
  func.func @_scatter_k(%arg0: i32, %arg1: i32, %arg2: memref<320000x128xf32, #tpu.memory_space<hbm>>, %arg3: memref<32x125x80xi32, #tpu.memory_space<hbm>>, %arg4: memref<125x80xi32, #tpu.memory_space<hbm>>, %arg5: memref<80x128xf32, #tpu.memory_space<hbm>>, %arg6: memref<2x10000x128xf32, #tpu.memory_space<hbm>>, %arg7: memref<125x80xi32, #tpu.memory_space<vmem>>, %arg8: memref<125x80xi32, #tpu.memory_space<vmem>>, %arg9: memref<80x128xf32, #tpu.memory_space<vmem>>, %arg10: memref<10000x128xf32, #tpu.memory_space<vmem_shared>>, %arg11: memref<!tpu.dma_semaphore, #tpu.memory_space<semaphore_mem>>) attributes {dimension_semantics = [#tpu.dimension_semantics<core_parallel>, #tpu.dimension_semantics<subcore_parallel>], iteration_bounds = array<i64: 2, 16>, scalar_prefetch = 0 : i64, scratch_operands = 5 : i64, tpu.core_type = #tpu.core_type<sc_vector_subcore>, window_params = [{transform_indices = #map}, {transform_indices = #map1}, {transform_indices = #map}, {transform_indices = #map}, {transform_indices = #map1}]} {
    %mul3A = arith.constant 2 : i32
    %mul3A_0 = arith.muli %arg1, %mul3A : i32
    %add3A = arith.addi %mul3A_0, %arg0 : i32
    %mul3A_1 = arith.constant 10000 : i32
    %mul3A_2 = arith.muli %add3A, %mul3A_1 : i32
    "tpu.region"() ({
      %run_scoped3A = tpu.sem_alloc : memref<!tpu.dma_semaphore, #tpu.memory_space<semaphore_mem>>
      tpu.enqueue_dma source(%arg4 : memref<125x80xi32, #tpu.memory_space<hbm>>) target(%arg8 : memref<125x80xi32, #tpu.memory_space<vmem>>) target_semaphore(%run_scoped3A : memref<!tpu.dma_semaphore, #tpu.memory_space<semaphore_mem>>)
      tpu.wait_dma2 semaphore(%run_scoped3A : memref<!tpu.dma_semaphore, #tpu.memory_space<semaphore_mem>>) src(%arg4 : memref<125x80xi32, #tpu.memory_space<hbm>>) dst(%arg8 : memref<125x80xi32, #tpu.memory_space<vmem>>)
      tpu.yield
    }) : () -> ()
    "tpu.region"() ({
      %run_scoped3A = tpu.sem_alloc : memref<!tpu.dma_semaphore, #tpu.memory_space<semaphore_mem>>
      tpu.enqueue_dma source(%arg5 : memref<80x128xf32, #tpu.memory_space<hbm>>) target(%arg9 : memref<80x128xf32, #tpu.memory_space<vmem>>) target_semaphore(%run_scoped3A : memref<!tpu.dma_semaphore, #tpu.memory_space<semaphore_mem>>)
      tpu.wait_dma2 semaphore(%run_scoped3A : memref<!tpu.dma_semaphore, #tpu.memory_space<semaphore_mem>>) src(%arg5 : memref<80x128xf32, #tpu.memory_space<hbm>>) dst(%arg9 : memref<80x128xf32, #tpu.memory_space<vmem>>)
      tpu.yield
    }) : () -> ()
    %scan3A = arith.constant 0 : i32
    %scan3A_3 = arith.constant 0 : i32
    %scan3A_4 = arith.constant 8 : i32
    %scan3A_5 = arith.addi %scan3A_3, %scan3A_4 : i32
    %scan3A_6 = arith.constant 1 : i32
    scf.for %scan3A_21 = %scan3A_3 to %scan3A_5 step %scan3A_6  : i32 {
      %mul3A_22 = arith.constant 16 : i32
      %mul3A_23 = arith.muli %scan3A_21, %mul3A_22 : i32
      %add3A_24 = arith.addi %arg1, %mul3A_23 : i32
      %lt3A = arith.constant 125 : i32
      %lt3A_25 = arith.cmpi slt, %add3A_24, %lt3A : i32
      %convert_element_type3A = arith.extui %lt3A_25 : i1 to i32
      %cond3A = arith.constant 0 : i32
      %cond3A_26 = arith.cmpi ne, %convert_element_type3A, %cond3A : i32
      scf.if %cond3A_26 {
        "tpu.region"() ({
          %run_scoped3A = tpu.sem_alloc : memref<!tpu.dma_semaphore, #tpu.memory_space<semaphore_mem>>
          %dma_start3A = arith.constant 0 : i32
          %dma_start3A_27 = tpu.memref_slice %arg8[%add3A_24, %dma_start3A] : memref<125x80xi32, #tpu.memory_space<vmem>> -> memref<1x80xi32, #tpu.memory_space<vmem>>
          %dma_start3A_28 = tpu.memref_squeeze %dma_start3A_27 : memref<1x80xi32, #tpu.memory_space<vmem>> -> memref<80xi32, #tpu.memory_space<vmem>>
          %dma_start3A_29 = arith.constant 0 : i32
          %dma_start3A_30 = arith.constant 0 : i32
          %dma_start3A_31 = tpu.memref_slice %arg10[%dma_start3A_29, %dma_start3A_30] : memref<10000x128xf32, #tpu.memory_space<vmem_shared>> -> memref<10000x128xf32, #tpu.memory_space<vmem_shared>>
          tpu.enqueue_indirect_dma source(%arg9 : memref<80x128xf32, #tpu.memory_space<vmem>>) target(%dma_start3A_31 : memref<10000x128xf32, #tpu.memory_space<vmem_shared>>) offsets(%dma_start3A_28 : memref<80xi32, #tpu.memory_space<vmem>>) semaphore(%run_scoped3A : memref<!tpu.dma_semaphore, #tpu.memory_space<semaphore_mem>>)
          %dma_wait3A = arith.constant 0 : i32
          %dma_wait3A_32 = tpu.memref_slice %arg8[%add3A_24, %dma_wait3A] : memref<125x80xi32, #tpu.memory_space<vmem>> -> memref<1x80xi32, #tpu.memory_space<vmem>>
          %dma_wait3A_33 = tpu.memref_squeeze %dma_wait3A_32 : memref<1x80xi32, #tpu.memory_space<vmem>> -> memref<80xi32, #tpu.memory_space<vmem>>
          %dma_wait3A_34 = arith.constant 0 : i32
          %dma_wait3A_35 = arith.constant 0 : i32
          %dma_wait3A_36 = tpu.memref_slice %arg10[%dma_wait3A_34, %dma_wait3A_35] : memref<10000x128xf32, #tpu.memory_space<vmem_shared>> -> memref<10000x128xf32, #tpu.memory_space<vmem_shared>>
          tpu.wait_indirect_dma semaphore(%run_scoped3A : memref<!tpu.dma_semaphore, #tpu.memory_space<semaphore_mem>>) src(%arg9 : memref<80x128xf32, #tpu.memory_space<vmem>>) dst(%dma_wait3A_36 : memref<10000x128xf32, #tpu.memory_space<vmem_shared>>)
          tpu.yield
        }) : () -> ()
      } else {
      }
    }
    %scan3A_7 = arith.constant 8 : i32
    %barrier3A = arith.constant 0 : index
    tpu.barrier barrier_id(%barrier3A)
    "tpu.region"() ({
      %run_scoped3A = tpu.sem_alloc : memref<!tpu.dma_semaphore, #tpu.memory_space<semaphore_mem>>
      %dma_start3A = arith.constant 0 : i32
      %dma_start3A_21 = arith.constant 0 : i32
      %dma_start3A_22 = tpu.memref_slice %arg3[%add3A, %dma_start3A, %dma_start3A_21] : memref<32x125x80xi32, #tpu.memory_space<hbm>> -> memref<1x125x80xi32, #tpu.memory_space<hbm>>
      %dma_start3A_23 = tpu.memref_squeeze %dma_start3A_22 : memref<1x125x80xi32, #tpu.memory_space<hbm>> -> memref<125x80xi32, #tpu.memory_space<hbm>>
      %dma_start3A_24 = arith.constant 0 : i32
      %dma_start3A_25 = arith.constant 0 : i32
      %dma_start3A_26 = tpu.memref_slice %arg3[%add3A, %dma_start3A_24, %dma_start3A_25] : memref<32x125x80xi32, #tpu.memory_space<hbm>> -> memref<1x125x80xi32, #tpu.memory_space<hbm>>
      %dma_start3A_27 = tpu.memref_squeeze %dma_start3A_26 : memref<1x125x80xi32, #tpu.memory_space<hbm>> -> memref<125x80xi32, #tpu.memory_space<hbm>>
      tpu.enqueue_dma source(%dma_start3A_27 : memref<125x80xi32, #tpu.memory_space<hbm>>) target(%arg7 : memref<125x80xi32, #tpu.memory_space<vmem>>) target_semaphore(%run_scoped3A : memref<!tpu.dma_semaphore, #tpu.memory_space<semaphore_mem>>)
      %dma_wait3A = arith.constant 0 : i32
      %dma_wait3A_28 = arith.constant 0 : i32
      %dma_wait3A_29 = tpu.memref_slice %arg3[%add3A, %dma_wait3A, %dma_wait3A_28] : memref<32x125x80xi32, #tpu.memory_space<hbm>> -> memref<1x125x80xi32, #tpu.memory_space<hbm>>
      %dma_wait3A_30 = tpu.memref_squeeze %dma_wait3A_29 : memref<1x125x80xi32, #tpu.memory_space<hbm>> -> memref<125x80xi32, #tpu.memory_space<hbm>>
      %dma_wait3A_31 = arith.constant 0 : i32
      %dma_wait3A_32 = arith.constant 0 : i32
      %dma_wait3A_33 = tpu.memref_slice %arg3[%add3A, %dma_wait3A_31, %dma_wait3A_32] : memref<32x125x80xi32, #tpu.memory_space<hbm>> -> memref<1x125x80xi32, #tpu.memory_space<hbm>>
      %dma_wait3A_34 = tpu.memref_squeeze %dma_wait3A_33 : memref<1x125x80xi32, #tpu.memory_space<hbm>> -> memref<125x80xi32, #tpu.memory_space<hbm>>
      tpu.wait_dma2 semaphore(%run_scoped3A : memref<!tpu.dma_semaphore, #tpu.memory_space<semaphore_mem>>) src(%dma_wait3A_34 : memref<125x80xi32, #tpu.memory_space<hbm>>) dst(%arg7 : memref<125x80xi32, #tpu.memory_space<vmem>>)
      tpu.yield
    }) : () -> ()
    %scan3A_8 = arith.constant 0 : i32
    %scan3A_9 = arith.constant 0 : i32
    %scan3A_10 = arith.constant 125 : i32
    %scan3A_11 = arith.addi %scan3A_9, %scan3A_10 : i32
    %scan3A_12 = arith.constant 1 : i32
    scf.for %scan3A_21 = %scan3A_9 to %scan3A_11 step %scan3A_12  : i32 {
      %mul3A_22 = arith.constant 80 : i32
      %mul3A_23 = arith.muli %scan3A_21, %mul3A_22 : i32
      %add3A_24 = arith.addi %mul3A_2, %mul3A_23 : i32
      "tpu.region"() ({
        %run_scoped3A = tpu.sem_alloc : memref<!tpu.dma_semaphore, #tpu.memory_space<semaphore_mem>>
        %dma_start3A = arith.constant 0 : i32
        %dma_start3A_25 = tpu.memref_slice %arg2[%add3A_24, %dma_start3A] : memref<320000x128xf32, #tpu.memory_space<hbm>> -> memref<80x128xf32, #tpu.memory_space<hbm>>
        %dma_start3A_26 = arith.constant 0 : i32
        %dma_start3A_27 = tpu.memref_slice %arg2[%add3A_24, %dma_start3A_26] : memref<320000x128xf32, #tpu.memory_space<hbm>> -> memref<80x128xf32, #tpu.memory_space<hbm>>
        tpu.enqueue_dma source(%dma_start3A_27 : memref<80x128xf32, #tpu.memory_space<hbm>>) target(%arg9 : memref<80x128xf32, #tpu.memory_space<vmem>>) target_semaphore(%run_scoped3A : memref<!tpu.dma_semaphore, #tpu.memory_space<semaphore_mem>>)
        %dma_wait3A = arith.constant 0 : i32
        %dma_wait3A_28 = tpu.memref_slice %arg2[%add3A_24, %dma_wait3A] : memref<320000x128xf32, #tpu.memory_space<hbm>> -> memref<80x128xf32, #tpu.memory_space<hbm>>
        %dma_wait3A_29 = arith.constant 0 : i32
        %dma_wait3A_30 = tpu.memref_slice %arg2[%add3A_24, %dma_wait3A_29] : memref<320000x128xf32, #tpu.memory_space<hbm>> -> memref<80x128xf32, #tpu.memory_space<hbm>>
        tpu.wait_dma2 semaphore(%run_scoped3A : memref<!tpu.dma_semaphore, #tpu.memory_space<semaphore_mem>>) src(%dma_wait3A_30 : memref<80x128xf32, #tpu.memory_space<hbm>>) dst(%arg9 : memref<80x128xf32, #tpu.memory_space<vmem>>)
        tpu.yield
      }) : () -> ()
      "tpu.region"() ({
        %run_scoped3A = tpu.sem_alloc : memref<!tpu.dma_semaphore, #tpu.memory_space<semaphore_mem>>
        %dma_start3A = arith.constant 0 : i32
        %dma_start3A_25 = tpu.memref_slice %arg7[%scan3A_21, %dma_start3A] : memref<125x80xi32, #tpu.memory_space<vmem>> -> memref<1x80xi32, #tpu.memory_space<vmem>>
        %dma_start3A_26 = tpu.memref_squeeze %dma_start3A_25 : memref<1x80xi32, #tpu.memory_space<vmem>> -> memref<80xi32, #tpu.memory_space<vmem>>
        %dma_start3A_27 = arith.constant 0 : i32
        %dma_start3A_28 = arith.constant 0 : i32
        %dma_start3A_29 = tpu.memref_slice %arg10[%dma_start3A_27, %dma_start3A_28] : memref<10000x128xf32, #tpu.memory_space<vmem_shared>> -> memref<10000x128xf32, #tpu.memory_space<vmem_shared>>
        tpu.enqueue_indirect_dma source(%arg9 : memref<80x128xf32, #tpu.memory_space<vmem>>) target(%dma_start3A_29 : memref<10000x128xf32, #tpu.memory_space<vmem_shared>>) offsets(%dma_start3A_26 : memref<80xi32, #tpu.memory_space<vmem>>) semaphore(%run_scoped3A : memref<!tpu.dma_semaphore, #tpu.memory_space<semaphore_mem>>) {add = true}
        %dma_wait3A = arith.constant 0 : i32
        %dma_wait3A_30 = tpu.memref_slice %arg7[%scan3A_21, %dma_wait3A] : memref<125x80xi32, #tpu.memory_space<vmem>> -> memref<1x80xi32, #tpu.memory_space<vmem>>
        %dma_wait3A_31 = tpu.memref_squeeze %dma_wait3A_30 : memref<1x80xi32, #tpu.memory_space<vmem>> -> memref<80xi32, #tpu.memory_space<vmem>>
        %dma_wait3A_32 = arith.constant 0 : i32
        %dma_wait3A_33 = arith.constant 0 : i32
        %dma_wait3A_34 = tpu.memref_slice %arg10[%dma_wait3A_32, %dma_wait3A_33] : memref<10000x128xf32, #tpu.memory_space<vmem_shared>> -> memref<10000x128xf32, #tpu.memory_space<vmem_shared>>
        tpu.wait_indirect_dma semaphore(%run_scoped3A : memref<!tpu.dma_semaphore, #tpu.memory_space<semaphore_mem>>) src(%arg9 : memref<80x128xf32, #tpu.memory_space<vmem>>) dst(%dma_wait3A_34 : memref<10000x128xf32, #tpu.memory_space<vmem_shared>>)
        tpu.yield
      }) : () -> ()
    }
    %scan3A_13 = arith.constant 125 : i32
    %barrier3A_14 = arith.constant 0 : index
    tpu.barrier barrier_id(%barrier3A_14)
    %scan3A_15 = arith.constant 0 : i32
    %scan3A_16 = arith.constant 0 : i32
    %scan3A_17 = arith.constant 8 : i32
    %scan3A_18 = arith.addi %scan3A_16, %scan3A_17 : i32
    %scan3A_19 = arith.constant 1 : i32
    scf.for %scan3A_21 = %scan3A_16 to %scan3A_18 step %scan3A_19  : i32 {
      %mul3A_22 = arith.constant 16 : i32
      %mul3A_23 = arith.muli %scan3A_21, %mul3A_22 : i32
      %add3A_24 = arith.addi %arg1, %mul3A_23 : i32
      %lt3A = arith.constant 125 : i32
      %lt3A_25 = arith.cmpi slt, %add3A_24, %lt3A : i32
      %convert_element_type3A = arith.extui %lt3A_25 : i1 to i32
      %cond3A = arith.constant 0 : i32
      %cond3A_26 = arith.cmpi ne, %convert_element_type3A, %cond3A : i32
      scf.if %cond3A_26 {
        %dma_start3A = arith.constant 0 : i32
        %dma_start3A_27 = tpu.memref_slice %arg8[%add3A_24, %dma_start3A] : memref<125x80xi32, #tpu.memory_space<vmem>> -> memref<1x80xi32, #tpu.memory_space<vmem>>
        %dma_start3A_28 = tpu.memref_squeeze %dma_start3A_27 : memref<1x80xi32, #tpu.memory_space<vmem>> -> memref<80xi32, #tpu.memory_space<vmem>>
        %dma_start3A_29 = arith.constant 0 : i32
        %dma_start3A_30 = arith.constant 0 : i32
        %dma_start3A_31 = tpu.memref_slice %arg10[%dma_start3A_29, %dma_start3A_30] : memref<10000x128xf32, #tpu.memory_space<vmem_shared>> -> memref<10000x128xf32, #tpu.memory_space<vmem_shared>>
        tpu.enqueue_indirect_dma source(%dma_start3A_31 : memref<10000x128xf32, #tpu.memory_space<vmem_shared>>) target(%arg9 : memref<80x128xf32, #tpu.memory_space<vmem>>) offsets(%dma_start3A_28 : memref<80xi32, #tpu.memory_space<vmem>>) semaphore(%arg11 : memref<!tpu.dma_semaphore, #tpu.memory_space<semaphore_mem>>)
        %dma_wait3A = arith.constant 0 : i32
        %dma_wait3A_32 = tpu.memref_slice %arg8[%add3A_24, %dma_wait3A] : memref<125x80xi32, #tpu.memory_space<vmem>> -> memref<1x80xi32, #tpu.memory_space<vmem>>
        %dma_wait3A_33 = tpu.memref_squeeze %dma_wait3A_32 : memref<1x80xi32, #tpu.memory_space<vmem>> -> memref<80xi32, #tpu.memory_space<vmem>>
        %dma_wait3A_34 = arith.constant 0 : i32
        %dma_wait3A_35 = arith.constant 0 : i32
        %dma_wait3A_36 = tpu.memref_slice %arg10[%dma_wait3A_34, %dma_wait3A_35] : memref<10000x128xf32, #tpu.memory_space<vmem_shared>> -> memref<10000x128xf32, #tpu.memory_space<vmem_shared>>
        tpu.wait_indirect_dma semaphore(%arg11 : memref<!tpu.dma_semaphore, #tpu.memory_space<semaphore_mem>>) src(%dma_wait3A_36 : memref<10000x128xf32, #tpu.memory_space<vmem_shared>>) dst(%arg9 : memref<80x128xf32, #tpu.memory_space<vmem>>)
        %mul3A_37 = arith.constant 80 : i32
        %mul3A_38 = arith.muli %add3A_24, %mul3A_37 : i32
        "tpu.region"() ({
          %run_scoped3A = tpu.sem_alloc : memref<!tpu.dma_semaphore, #tpu.memory_space<semaphore_mem>>
          %dma_start3A_39 = arith.constant 0 : i32
          %dma_start3A_40 = tpu.memref_slice %arg6[%arg0, %mul3A_38, %dma_start3A_39] : memref<2x10000x128xf32, #tpu.memory_space<hbm>> -> memref<1x80x128xf32, #tpu.memory_space<hbm>>
          %dma_start3A_41 = tpu.memref_squeeze %dma_start3A_40 : memref<1x80x128xf32, #tpu.memory_space<hbm>> -> memref<80x128xf32, #tpu.memory_space<hbm>>
          %dma_start3A_42 = arith.constant 0 : i32
          %dma_start3A_43 = tpu.memref_slice %arg6[%arg0, %mul3A_38, %dma_start3A_42] : memref<2x10000x128xf32, #tpu.memory_space<hbm>> -> memref<1x80x128xf32, #tpu.memory_space<hbm>>
          %dma_start3A_44 = tpu.memref_squeeze %dma_start3A_43 : memref<1x80x128xf32, #tpu.memory_space<hbm>> -> memref<80x128xf32, #tpu.memory_space<hbm>>
          tpu.enqueue_dma source(%arg9 : memref<80x128xf32, #tpu.memory_space<vmem>>) target(%dma_start3A_44 : memref<80x128xf32, #tpu.memory_space<hbm>>) target_semaphore(%run_scoped3A : memref<!tpu.dma_semaphore, #tpu.memory_space<semaphore_mem>>)
          %dma_wait3A_45 = arith.constant 0 : i32
          %dma_wait3A_46 = tpu.memref_slice %arg6[%arg0, %mul3A_38, %dma_wait3A_45] : memref<2x10000x128xf32, #tpu.memory_space<hbm>> -> memref<1x80x128xf32, #tpu.memory_space<hbm>>
          %dma_wait3A_47 = tpu.memref_squeeze %dma_wait3A_46 : memref<1x80x128xf32, #tpu.memory_space<hbm>> -> memref<80x128xf32, #tpu.memory_space<hbm>>
          %dma_wait3A_48 = arith.constant 0 : i32
          %dma_wait3A_49 = tpu.memref_slice %arg6[%arg0, %mul3A_38, %dma_wait3A_48] : memref<2x10000x128xf32, #tpu.memory_space<hbm>> -> memref<1x80x128xf32, #tpu.memory_space<hbm>>
          %dma_wait3A_50 = tpu.memref_squeeze %dma_wait3A_49 : memref<1x80x128xf32, #tpu.memory_space<hbm>> -> memref<80x128xf32, #tpu.memory_space<hbm>>
          tpu.wait_dma2 semaphore(%run_scoped3A : memref<!tpu.dma_semaphore, #tpu.memory_space<semaphore_mem>>) src(%arg9 : memref<80x128xf32, #tpu.memory_space<vmem>>) dst(%dma_wait3A_50 : memref<80x128xf32, #tpu.memory_space<hbm>>)
          tpu.yield
        }) : () -> ()
      } else {
      }
    }
    %scan3A_20 = arith.constant 8 : i32
    return
  }
}

module attributes {stable_mosaic.version = 14 : i64} {
  func.func @_node_tables_body(%arg0: i32, %arg1: memref<1000x128xf32, #tpu.memory_space<vmem>>, %arg2: memref<128x128xf32, #tpu.memory_space<vmem>>, %arg3: memref<1x128xf32, #tpu.memory_space<vmem>>, %arg4: memref<128x128xf32, #tpu.memory_space<vmem>>, %arg5: memref<1x128xf32, #tpu.memory_space<vmem>>, %arg6: memref<1000x128xf32, #tpu.memory_space<vmem>>, %arg7: memref<1000x256xf32, #tpu.memory_space<vmem>>) attributes {dimension_semantics = [#tpu.dimension_semantics<arbitrary>], iteration_bounds = array<i64: 10>, scalar_prefetch = 0 : i64, scratch_operands = 0 : i64, tpu.core_type = #tpu.core_type<tc>, window_params = [{transform_indices = @transform_0, window_bounds = array<i64: 1000, 128>}, {pipeline_mode = #tpu.pipeline_mode<synchronous>, transform_indices = @transform_1, window_bounds = array<i64: 128, 128>}, {pipeline_mode = #tpu.pipeline_mode<synchronous>, transform_indices = @transform_2, window_bounds = array<i64: 1, 128>}, {pipeline_mode = #tpu.pipeline_mode<synchronous>, transform_indices = @transform_3, window_bounds = array<i64: 128, 128>}, {pipeline_mode = #tpu.pipeline_mode<synchronous>, transform_indices = @transform_4, window_bounds = array<i64: 1, 128>}, {transform_indices = @transform_5, window_bounds = array<i64: 1000, 128>}, {transform_indices = @transform_6, window_bounds = array<i64: 1000, 256>}]} {
    %get3A = arith.constant 0 : index
    %get3A_0 = arith.constant 0 : index
    %get3A_1 = vector.load %arg1[%get3A, %get3A_0] : memref<1000x128xf32, #tpu.memory_space<vmem>>, vector<1000x128xf32>
    %get3A_2 = arith.constant 0 : index
    %get3A_3 = arith.constant 0 : index
    %get3A_4 = vector.load %arg2[%get3A_2, %get3A_3] : memref<128x128xf32, #tpu.memory_space<vmem>>, vector<128x128xf32>
    %dot_general3A = arith.constant dense<0.000000e+00> : vector<1000x128xf32>
    %dot_general3A_5 = tpu.matmul %get3A_1, %get3A_4, %dot_general3A {dimension_numbers = #tpu.dot_dimension_numbers<[1], [0], [0], [1], [0, 0, 1, 1], [], []>, transpose_lhs_hint = false} : vector<1000x128xf32>, vector<128x128xf32>, vector<1000x128xf32> -> vector<1000x128xf32>
    %get3A_6 = arith.constant 0 : index
    %get3A_7 = arith.constant 0 : index
    %get3A_8 = vector.load %arg3[%get3A_6, %get3A_7] : memref<1x128xf32, #tpu.memory_space<vmem>>, vector<1x128xf32>
    %add3A = vector.broadcast %get3A_8 : vector<1x128xf32> to vector<1000x128xf32>
    %add3A_9 = arith.addf %dot_general3A_5, %add3A : vector<1000x128xf32>
    %swap3A = arith.constant 0 : index
    %swap3A_10 = arith.constant 0 : index
    %swap3A_11 = vector.load %arg6[%swap3A, %swap3A_10] : memref<1000x128xf32, #tpu.memory_space<vmem>>, vector<1000x128xf32>
    tpu.vector_store %arg6[%swap3A, %swap3A_10], %add3A_9 {strides = array<i32>} : memref<1000x128xf32, #tpu.memory_space<vmem>>, vector<1000x128xf32>,
    %swap3A_12 = arith.constant 0 : index
    %swap3A_13 = arith.constant 0 : index
    %swap3A_14 = vector.load %arg7[%swap3A_12, %swap3A_13] : memref<1000x256xf32, #tpu.memory_space<vmem>>, vector<1000x128xf32>
    tpu.vector_store %arg7[%swap3A_12, %swap3A_13], %get3A_1 {strides = array<i32>} : memref<1000x256xf32, #tpu.memory_space<vmem>>, vector<1000x128xf32>,
    %get3A_15 = arith.constant 0 : index
    %get3A_16 = arith.constant 0 : index
    %get3A_17 = vector.load %arg4[%get3A_15, %get3A_16] : memref<128x128xf32, #tpu.memory_space<vmem>>, vector<128x128xf32>
    %dot_general3A_18 = arith.constant dense<0.000000e+00> : vector<1000x128xf32>
    %dot_general3A_19 = tpu.matmul %get3A_1, %get3A_17, %dot_general3A_18 {dimension_numbers = #tpu.dot_dimension_numbers<[1], [0], [0], [1], [0, 0, 1, 1], [], []>, transpose_lhs_hint = false} : vector<1000x128xf32>, vector<128x128xf32>, vector<1000x128xf32> -> vector<1000x128xf32>
    %get3A_20 = arith.constant 0 : index
    %get3A_21 = arith.constant 0 : index
    %get3A_22 = vector.load %arg5[%get3A_20, %get3A_21] : memref<1x128xf32, #tpu.memory_space<vmem>>, vector<1x128xf32>
    %add3A_23 = vector.broadcast %get3A_22 : vector<1x128xf32> to vector<1000x128xf32>
    %add3A_24 = arith.addf %dot_general3A_19, %add3A_23 : vector<1000x128xf32>
    %swap3A_25 = arith.constant 0 : index
    %swap3A_26 = arith.constant 128 : index
    %swap3A_27 = vector.load %arg7[%swap3A_25, %swap3A_26] : memref<1000x256xf32, #tpu.memory_space<vmem>>, vector<1000x128xf32>
    tpu.vector_store %arg7[%swap3A_25, %swap3A_26], %add3A_24 {strides = array<i32>} : memref<1000x256xf32, #tpu.memory_space<vmem>>, vector<1000x128xf32>,
    return
  }
  func.func @transform_0(%arg0: i32) -> (i32, i32) {
    %c0_i32 = arith.constant 0 : i32
    %c0_i32_0 = arith.constant 0 : i32
    return %arg0, %c0_i32 : i32, i32
  }
  func.func @transform_1(%arg0: i32) -> (i32, i32) {
    %c0_i32 = arith.constant 0 : i32
    %c0_i32_0 = arith.constant 0 : i32
    %c0_i32_1 = arith.constant 0 : i32
    return %c0_i32, %c0_i32_0 : i32, i32
  }
  func.func @transform_2(%arg0: i32) -> (i32, i32) {
    %c0_i32 = arith.constant 0 : i32
    %c0_i32_0 = arith.constant 0 : i32
    %c0_i32_1 = arith.constant 0 : i32
    return %c0_i32, %c0_i32_0 : i32, i32
  }
  func.func @transform_3(%arg0: i32) -> (i32, i32) {
    %c0_i32 = arith.constant 0 : i32
    %c0_i32_0 = arith.constant 0 : i32
    %c0_i32_1 = arith.constant 0 : i32
    return %c0_i32, %c0_i32_0 : i32, i32
  }
  func.func @transform_4(%arg0: i32) -> (i32, i32) {
    %c0_i32 = arith.constant 0 : i32
    %c0_i32_0 = arith.constant 0 : i32
    %c0_i32_1 = arith.constant 0 : i32
    return %c0_i32, %c0_i32_0 : i32, i32
  }
  func.func @transform_5(%arg0: i32) -> (i32, i32) {
    %c0_i32 = arith.constant 0 : i32
    %c0_i32_0 = arith.constant 0 : i32
    return %arg0, %c0_i32 : i32, i32
  }
  func.func @transform_6(%arg0: i32) -> (i32, i32) {
    %c0_i32 = arith.constant 0 : i32
    %c0_i32_0 = arith.constant 0 : i32
    return %arg0, %c0_i32 : i32, i32
  }
}

module attributes {stable_mosaic.version = 14 : i64} {
  func.func @_edge_body(%arg0: i32, %arg1: memref<2000x128xf32, #tpu.memory_space<vmem>>, %arg2: memref<2000x256xf32, #tpu.memory_space<vmem>>, %arg3: memref<2000x128xf32, #tpu.memory_space<vmem>>, %arg4: memref<128x128xf32, #tpu.memory_space<vmem>>, %arg5: memref<1x128xf32, #tpu.memory_space<vmem>>, %arg6: memref<128x128xf32, #tpu.memory_space<vmem>>, %arg7: memref<1x128xf32, #tpu.memory_space<vmem>>, %arg8: memref<128x128xf32, #tpu.memory_space<vmem>>, %arg9: memref<128x16xf32, #tpu.memory_space<vmem>>, %arg10: memref<16x128xf32, #tpu.memory_space<vmem>>, %arg11: memref<2000x128xf32, #tpu.memory_space<vmem>>, %arg12: memref<2000x128xf32, #tpu.memory_space<vmem>>, %arg13: memref<2000x128xf32, #tpu.memory_space<vmem>>) attributes {dimension_semantics = [#tpu.dimension_semantics<arbitrary>], iteration_bounds = array<i64: 160>, scalar_prefetch = 0 : i64, scratch_operands = 0 : i64, tpu.core_type = #tpu.core_type<tc>, window_params = [{transform_indices = @transform_0, window_bounds = array<i64: 2000, 128>}, {transform_indices = @transform_1, window_bounds = array<i64: 2000, 256>}, {transform_indices = @transform_2, window_bounds = array<i64: 2000, 128>}, {pipeline_mode = #tpu.pipeline_mode<synchronous>, transform_indices = @transform_3, window_bounds = array<i64: 128, 128>}, {pipeline_mode = #tpu.pipeline_mode<synchronous>, transform_indices = @transform_4, window_bounds = array<i64: 1, 128>}, {pipeline_mode = #tpu.pipeline_mode<synchronous>, transform_indices = @transform_5, window_bounds = array<i64: 128, 128>}, {pipeline_mode = #tpu.pipeline_mode<synchronous>, transform_indices = @transform_6, window_bounds = array<i64: 1, 128>}, {pipeline_mode = #tpu.pipeline_mode<synchronous>, transform_indices = @transform_7, window_bounds = array<i64: 128, 128>}, {pipeline_mode = #tpu.pipeline_mode<synchronous>, transform_indices = @transform_8, window_bounds = array<i64: 128, 16>}, {pipeline_mode = #tpu.pipeline_mode<synchronous>, transform_indices = @transform_9, window_bounds = array<i64: 16, 128>}, {transform_indices = @transform_10, window_bounds = array<i64: 2000, 128>}, {transform_indices = @transform_11, window_bounds = array<i64: 2000, 128>}, {transform_indices = @transform_12, window_bounds = array<i64: 2000, 128>}]} {
    %get3A = arith.constant 0 : index
    %get3A_0 = arith.constant 0 : index
    %get3A_1 = vector.load %arg1[%get3A, %get3A_0] : memref<2000x128xf32, #tpu.memory_space<vmem>>, vector<2000x128xf32>
    %get3A_2 = arith.constant 0 : index
    %get3A_3 = arith.constant 0 : index
    %get3A_4 = vector.load %arg2[%get3A_2, %get3A_3] : memref<2000x256xf32, #tpu.memory_space<vmem>>, vector<2000x256xf32>
    %slice3A = vector.extract_strided_slice %get3A_4 {offsets = [0, 0], sizes = [2000, 128], strides = [1, 1]} : vector<2000x256xf32> to vector<2000x128xf32>
    %add3A = arith.addf %get3A_1, %slice3A : vector<2000x128xf32>
    %get3A_5 = arith.constant 0 : index
    %get3A_6 = arith.constant 0 : index
    %get3A_7 = vector.load %arg4[%get3A_5, %get3A_6] : memref<128x128xf32, #tpu.memory_space<vmem>>, vector<128x128xf32>
    %dot_general3A = arith.constant dense<0.000000e+00> : vector<2000x128xf32>
    %dot_general3A_8 = tpu.matmul %add3A, %get3A_7, %dot_general3A {dimension_numbers = #tpu.dot_dimension_numbers<[1], [0], [0], [1], [0, 0, 1, 1], [], []>, transpose_lhs_hint = false} : vector<2000x128xf32>, vector<128x128xf32>, vector<2000x128xf32> -> vector<2000x128xf32>
    %get3A_9 = arith.constant 0 : index
    %get3A_10 = arith.constant 0 : index
    %get3A_11 = vector.load %arg5[%get3A_9, %get3A_10] : memref<1x128xf32, #tpu.memory_space<vmem>>, vector<1x128xf32>
    %add3A_12 = vector.broadcast %get3A_11 : vector<1x128xf32> to vector<2000x128xf32>
    %add3A_13 = arith.addf %dot_general3A_8, %add3A_12 : vector<2000x128xf32>
    %get3A_14 = arith.constant 0 : index
    %get3A_15 = arith.constant 0 : index
    %get3A_16 = vector.load %arg6[%get3A_14, %get3A_15] : memref<128x128xf32, #tpu.memory_space<vmem>>, vector<128x128xf32>
    %dot_general3A_17 = arith.constant dense<0.000000e+00> : vector<2000x128xf32>
    %dot_general3A_18 = tpu.matmul %add3A, %get3A_16, %dot_general3A_17 {dimension_numbers = #tpu.dot_dimension_numbers<[1], [0], [0], [1], [0, 0, 1, 1], [], []>, transpose_lhs_hint = false} : vector<2000x128xf32>, vector<128x128xf32>, vector<2000x128xf32> -> vector<2000x128xf32>
    %get3A_19 = arith.constant 0 : index
    %get3A_20 = arith.constant 0 : index
    %get3A_21 = vector.load %arg7[%get3A_19, %get3A_20] : memref<1x128xf32, #tpu.memory_space<vmem>>, vector<1x128xf32>
    %add3A_22 = vector.broadcast %get3A_21 : vector<1x128xf32> to vector<2000x128xf32>
    %add3A_23 = arith.addf %dot_general3A_18, %add3A_22 : vector<2000x128xf32>
    %get3A_24 = arith.constant 0 : index
    %get3A_25 = arith.constant 0 : index
    %get3A_26 = vector.load %arg3[%get3A_24, %get3A_25] : memref<2000x128xf32, #tpu.memory_space<vmem>>, vector<2000x128xf32>
    %mul3A = arith.mulf %get3A_26, %add3A_13 : vector<2000x128xf32>
    %get3A_27 = arith.constant 0 : index
    %get3A_28 = arith.constant 0 : index
    %get3A_29 = vector.load %arg9[%get3A_27, %get3A_28] : memref<128x16xf32, #tpu.memory_space<vmem>>, vector<128x16xf32>
    %dot_general3A_30 = arith.constant dense<0.000000e+00> : vector<2000x16xf32>
    %dot_general3A_31 = tpu.matmul %mul3A, %get3A_29, %dot_general3A_30 {dimension_numbers = #tpu.dot_dimension_numbers<[1], [0], [0], [1], [0, 0, 1, 1], [], []>, transpose_lhs_hint = false} : vector<2000x128xf32>, vector<128x16xf32>, vector<2000x16xf32> -> vector<2000x16xf32>
    %mul3A_32 = arith.constant 2.500000e-01 : f32
    %mul3A_33 = vector.broadcast %mul3A_32 : f32 to vector<2000x16xf32>
    %mul3A_34 = arith.mulf %dot_general3A_31, %mul3A_33 : vector<2000x16xf32>
    %iota3A = tpu.iota {dimensions = array<i32: 1>} : vector<2000x16xi32>
    %lt3A = arith.constant 8 : i32
    %lt3A_35 = vector.broadcast %lt3A : i32 to vector<2000x16xi32>
    %lt3A_36 = arith.cmpi slt, %iota3A, %lt3A_35 : vector<2000x16xi32>
    %exp3A = math.exp %mul3A_34 : vector<2000x16xf32>
    %jit3A = arith.constant 0.000000e+00 : f32
    %broadcast_in_dim3A = vector.broadcast %jit3A : f32 to vector<2000x16xf32>
    %select_n3A = arith.select %lt3A_36, %exp3A, %broadcast_in_dim3A : vector<2000x16xi1>, vector<2000x16xf32>
    %get3A_37 = arith.constant 0 : index
    %get3A_38 = arith.constant 0 : index
    %get3A_39 = vector.load %arg10[%get3A_37, %get3A_38] : memref<16x128xf32, #tpu.memory_space<vmem>>, vector<16x128xf32>
    %dot_general3A_40 = arith.constant dense<0.000000e+00> : vector<2000x128xf32>
    %dot_general3A_41 = tpu.matmul %select_n3A, %get3A_39, %dot_general3A_40 {dimension_numbers = #tpu.dot_dimension_numbers<[1], [0], [0], [1], [0, 0, 1, 1], [], []>, transpose_lhs_hint = false} : vector<2000x16xf32>, vector<16x128xf32>, vector<2000x128xf32> -> vector<2000x128xf32>
    %mul3A_42 = arith.mulf %add3A_23, %dot_general3A_41 : vector<2000x128xf32>
    %swap3A = arith.constant 0 : index
    %swap3A_43 = arith.constant 0 : index
    %swap3A_44 = vector.load %arg12[%swap3A, %swap3A_43] : memref<2000x128xf32, #tpu.memory_space<vmem>>, vector<2000x128xf32>
    tpu.vector_store %arg12[%swap3A, %swap3A_43], %mul3A_42 {strides = array<i32>} : memref<2000x128xf32, #tpu.memory_space<vmem>>, vector<2000x128xf32>,
    %swap3A_45 = arith.constant 0 : index
    %swap3A_46 = arith.constant 0 : index
    %swap3A_47 = vector.load %arg13[%swap3A_45, %swap3A_46] : memref<2000x128xf32, #tpu.memory_space<vmem>>, vector<2000x128xf32>
    tpu.vector_store %arg13[%swap3A_45, %swap3A_46], %dot_general3A_41 {strides = array<i32>} : memref<2000x128xf32, #tpu.memory_space<vmem>>, vector<2000x128xf32>,
    %get3A_48 = arith.constant 0 : index
    %get3A_49 = arith.constant 0 : index
    %get3A_50 = vector.load %arg8[%get3A_48, %get3A_49] : memref<128x128xf32, #tpu.memory_space<vmem>>, vector<128x128xf32>
    %dot_general3A_51 = arith.constant dense<0.000000e+00> : vector<2000x128xf32>
    %dot_general3A_52 = tpu.matmul %get3A_1, %get3A_50, %dot_general3A_51 {dimension_numbers = #tpu.dot_dimension_numbers<[1], [0], [0], [1], [0, 0, 1, 1], [], []>, transpose_lhs_hint = false} : vector<2000x128xf32>, vector<128x128xf32>, vector<2000x128xf32> -> vector<2000x128xf32>
    %slice3A_53 = vector.extract_strided_slice %get3A_4 {offsets = [0, 128], sizes = [2000, 128], strides = [1, 1]} : vector<2000x256xf32> to vector<2000x128xf32>
    %add3A_54 = arith.addf %dot_general3A_52, %slice3A_53 : vector<2000x128xf32>
    %ge3A = arith.constant 0.000000e+00 : f32
    %ge3A_55 = vector.broadcast %ge3A : f32 to vector<2000x128xf32>
    %ge3A_56 = arith.cmpf oge, %add3A_54, %ge3A_55 : vector<2000x128xf32>
    %mul3A_57 = arith.constant 0.00999999977 : f32
    %mul3A_58 = vector.broadcast %mul3A_57 : f32 to vector<2000x128xf32>
    %mul3A_59 = arith.mulf %mul3A_58, %add3A_54 : vector<2000x128xf32>
    %select_n3A_60 = arith.select %ge3A_56, %add3A_54, %mul3A_59 : vector<2000x128xi1>, vector<2000x128xf32>
    %swap3A_61 = arith.constant 0 : index
    %swap3A_62 = arith.constant 0 : index
    %swap3A_63 = vector.load %arg11[%swap3A_61, %swap3A_62] : memref<2000x128xf32, #tpu.memory_space<vmem>>, vector<2000x128xf32>
    tpu.vector_store %arg11[%swap3A_61, %swap3A_62], %select_n3A_60 {strides = array<i32>} : memref<2000x128xf32, #tpu.memory_space<vmem>>, vector<2000x128xf32>,
    return
  }
  func.func @transform_0(%arg0: i32) -> (i32, i32) {
    %c0_i32 = arith.constant 0 : i32
    %c0_i32_0 = arith.constant 0 : i32
    return %arg0, %c0_i32 : i32, i32
  }
  func.func @transform_1(%arg0: i32) -> (i32, i32) {
    %c0_i32 = arith.constant 0 : i32
    %c0_i32_0 = arith.constant 0 : i32
    return %arg0, %c0_i32 : i32, i32
  }
  func.func @transform_2(%arg0: i32) -> (i32, i32) {
    %c0_i32 = arith.constant 0 : i32
    %c0_i32_0 = arith.constant 0 : i32
    return %arg0, %c0_i32 : i32, i32
  }
  func.func @transform_3(%arg0: i32) -> (i32, i32) {
    %c0_i32 = arith.constant 0 : i32
    %c0_i32_0 = arith.constant 0 : i32
    %c0_i32_1 = arith.constant 0 : i32
    return %c0_i32, %c0_i32_0 : i32, i32
  }
  func.func @transform_4(%arg0: i32) -> (i32, i32) {
    %c0_i32 = arith.constant 0 : i32
    %c0_i32_0 = arith.constant 0 : i32
    %c0_i32_1 = arith.constant 0 : i32
    return %c0_i32, %c0_i32_0 : i32, i32
  }
  func.func @transform_5(%arg0: i32) -> (i32, i32) {
    %c0_i32 = arith.constant 0 : i32
    %c0_i32_0 = arith.constant 0 : i32
    %c0_i32_1 = arith.constant 0 : i32
    return %c0_i32, %c0_i32_0 : i32, i32
  }
  func.func @transform_6(%arg0: i32) -> (i32, i32) {
    %c0_i32 = arith.constant 0 : i32
    %c0_i32_0 = arith.constant 0 : i32
    %c0_i32_1 = arith.constant 0 : i32
    return %c0_i32, %c0_i32_0 : i32, i32
  }
  func.func @transform_7(%arg0: i32) -> (i32, i32) {
    %c0_i32 = arith.constant 0 : i32
    %c0_i32_0 = arith.constant 0 : i32
    %c0_i32_1 = arith.constant 0 : i32
    return %c0_i32, %c0_i32_0 : i32, i32
  }
  func.func @transform_8(%arg0: i32) -> (i32, i32) {
    %c0_i32 = arith.constant 0 : i32
    %c0_i32_0 = arith.constant 0 : i32
    %c0_i32_1 = arith.constant 0 : i32
    return %c0_i32, %c0_i32_0 : i32, i32
  }
  func.func @transform_9(%arg0: i32) -> (i32, i32) {
    %c0_i32 = arith.constant 0 : i32
    %c0_i32_0 = arith.constant 0 : i32
    %c0_i32_1 = arith.constant 0 : i32
    return %c0_i32, %c0_i32_0 : i32, i32
  }
  func.func @transform_10(%arg0: i32) -> (i32, i32) {
    %c0_i32 = arith.constant 0 : i32
    %c0_i32_0 = arith.constant 0 : i32
    return %arg0, %c0_i32 : i32, i32
  }
  func.func @transform_11(%arg0: i32) -> (i32, i32) {
    %c0_i32 = arith.constant 0 : i32
    %c0_i32_0 = arith.constant 0 : i32
    return %arg0, %c0_i32 : i32, i32
  }
  func.func @transform_12(%arg0: i32) -> (i32, i32) {
    %c0_i32 = arith.constant 0 : i32
    %c0_i32_0 = arith.constant 0 : i32
    return %arg0, %c0_i32 : i32, i32
  }
}

module attributes {stable_mosaic.version = 14 : i64} {
  func.func @_node_out_body(%arg0: i32, %arg1: memref<1000x128xf32, #tpu.memory_space<vmem>>, %arg2: memref<2x1000x128xf32, #tpu.memory_space<vmem>>, %arg3: memref<2x1000x128xf32, #tpu.memory_space<vmem>>, %arg4: memref<128x128xf32, #tpu.memory_space<vmem>>, %arg5: memref<128x128xf32, #tpu.memory_space<vmem>>, %arg6: memref<1x128xf32, #tpu.memory_space<vmem>>, %arg7: memref<1000x128xf32, #tpu.memory_space<vmem>>) attributes {dimension_semantics = [#tpu.dimension_semantics<arbitrary>], iteration_bounds = array<i64: 10>, scalar_prefetch = 0 : i64, scratch_operands = 0 : i64, tpu.core_type = #tpu.core_type<tc>, window_params = [{transform_indices = @transform_0, window_bounds = array<i64: 1000, 128>}, {transform_indices = @transform_1, window_bounds = array<i64: 2, 1000, 128>}, {transform_indices = @transform_2, window_bounds = array<i64: 2, 1000, 128>}, {pipeline_mode = #tpu.pipeline_mode<synchronous>, transform_indices = @transform_3, window_bounds = array<i64: 128, 128>}, {pipeline_mode = #tpu.pipeline_mode<synchronous>, transform_indices = @transform_4, window_bounds = array<i64: 128, 128>}, {pipeline_mode = #tpu.pipeline_mode<synchronous>, transform_indices = @transform_5, window_bounds = array<i64: 1, 128>}, {transform_indices = @transform_6, window_bounds = array<i64: 1000, 128>}]} {
    %get3A = arith.constant 0 : index
    %get3A_0 = arith.constant 0 : index
    %get3A_1 = arith.constant 0 : index
    %get3A_2 = vector.load %arg2[%get3A, %get3A_0, %get3A_1] : memref<2x1000x128xf32, #tpu.memory_space<vmem>>, vector<1x1000x128xf32>
    %get3A_3 = vector.shape_cast %get3A_2 : vector<1x1000x128xf32> to vector<1000x128xf32>
    %get3A_4 = arith.constant 1 : index
    %get3A_5 = arith.constant 0 : index
    %get3A_6 = arith.constant 0 : index
    %get3A_7 = vector.load %arg2[%get3A_4, %get3A_5, %get3A_6] : memref<2x1000x128xf32, #tpu.memory_space<vmem>>, vector<1x1000x128xf32>
    %get3A_8 = vector.shape_cast %get3A_7 : vector<1x1000x128xf32> to vector<1000x128xf32>
    %add3A = arith.addf %get3A_3, %get3A_8 : vector<1000x128xf32>
    %get3A_9 = arith.constant 0 : index
    %get3A_10 = arith.constant 0 : index
    %get3A_11 = arith.constant 0 : index
    %get3A_12 = vector.load %arg3[%get3A_9, %get3A_10, %get3A_11] : memref<2x1000x128xf32, #tpu.memory_space<vmem>>, vector<1x1000x128xf32>
    %get3A_13 = vector.shape_cast %get3A_12 : vector<1x1000x128xf32> to vector<1000x128xf32>
    %get3A_14 = arith.constant 1 : index
    %get3A_15 = arith.constant 0 : index
    %get3A_16 = arith.constant 0 : index
    %get3A_17 = vector.load %arg3[%get3A_14, %get3A_15, %get3A_16] : memref<2x1000x128xf32, #tpu.memory_space<vmem>>, vector<1x1000x128xf32>
    %get3A_18 = vector.shape_cast %get3A_17 : vector<1x1000x128xf32> to vector<1000x128xf32>
    %add3A_19 = arith.addf %get3A_13, %get3A_18 : vector<1000x128xf32>
    %add3A_20 = arith.constant 9.99999971E-10 : f32
    %add3A_21 = vector.broadcast %add3A_20 : f32 to vector<1000x128xf32>
    %add3A_22 = arith.addf %add3A_19, %add3A_21 : vector<1000x128xf32>
    %div3A = arith.divf %add3A, %add3A_22 : vector<1000x128xf32>
    %get3A_23 = arith.constant 0 : index
    %get3A_24 = arith.constant 0 : index
    %get3A_25 = vector.load %arg1[%get3A_23, %get3A_24] : memref<1000x128xf32, #tpu.memory_space<vmem>>, vector<1000x128xf32>
    %get3A_26 = arith.constant 0 : index
    %get3A_27 = arith.constant 0 : index
    %get3A_28 = vector.load %arg4[%get3A_26, %get3A_27] : memref<128x128xf32, #tpu.memory_space<vmem>>, vector<128x128xf32>
    %dot_general3A = arith.constant dense<0.000000e+00> : vector<1000x128xf32>
    %dot_general3A_29 = tpu.matmul %get3A_25, %get3A_28, %dot_general3A {dimension_numbers = #tpu.dot_dimension_numbers<[1], [0], [0], [1], [0, 0, 1, 1], [], []>, transpose_lhs_hint = false} : vector<1000x128xf32>, vector<128x128xf32>, vector<1000x128xf32> -> vector<1000x128xf32>
    %get3A_30 = arith.constant 0 : index
    %get3A_31 = arith.constant 0 : index
    %get3A_32 = vector.load %arg5[%get3A_30, %get3A_31] : memref<128x128xf32, #tpu.memory_space<vmem>>, vector<128x128xf32>
    %dot_general3A_33 = arith.constant dense<0.000000e+00> : vector<1000x128xf32>
    %dot_general3A_34 = tpu.matmul %div3A, %get3A_32, %dot_general3A_33 {dimension_numbers = #tpu.dot_dimension_numbers<[1], [0], [0], [1], [0, 0, 1, 1], [], []>, transpose_lhs_hint = false} : vector<1000x128xf32>, vector<128x128xf32>, vector<1000x128xf32> -> vector<1000x128xf32>
    %add3A_35 = arith.addf %dot_general3A_29, %dot_general3A_34 : vector<1000x128xf32>
    %get3A_36 = arith.constant 0 : index
    %get3A_37 = arith.constant 0 : index
    %get3A_38 = vector.load %arg6[%get3A_36, %get3A_37] : memref<1x128xf32, #tpu.memory_space<vmem>>, vector<1x128xf32>
    %add3A_39 = vector.broadcast %get3A_38 : vector<1x128xf32> to vector<1000x128xf32>
    %add3A_40 = arith.addf %add3A_35, %add3A_39 : vector<1000x128xf32>
    %ge3A = arith.constant 0.000000e+00 : f32
    %ge3A_41 = vector.broadcast %ge3A : f32 to vector<1000x128xf32>
    %ge3A_42 = arith.cmpf oge, %add3A_40, %ge3A_41 : vector<1000x128xf32>
    %mul3A = arith.constant 0.00999999977 : f32
    %mul3A_43 = vector.broadcast %mul3A : f32 to vector<1000x128xf32>
    %mul3A_44 = arith.mulf %mul3A_43, %add3A_40 : vector<1000x128xf32>
    %select_n3A = arith.select %ge3A_42, %add3A_40, %mul3A_44 : vector<1000x128xi1>, vector<1000x128xf32>
    %swap3A = arith.constant 0 : index
    %swap3A_45 = arith.constant 0 : index
    %swap3A_46 = vector.load %arg7[%swap3A, %swap3A_45] : memref<1000x128xf32, #tpu.memory_space<vmem>>, vector<1000x128xf32>
    tpu.vector_store %arg7[%swap3A, %swap3A_45], %select_n3A {strides = array<i32>} : memref<1000x128xf32, #tpu.memory_space<vmem>>, vector<1000x128xf32>,
    return
  }
  func.func @transform_0(%arg0: i32) -> (i32, i32) {
    %c0_i32 = arith.constant 0 : i32
    %c0_i32_0 = arith.constant 0 : i32
    return %arg0, %c0_i32 : i32, i32
  }
  func.func @transform_1(%arg0: i32) -> (i32, i32, i32) {
    %c0_i32 = arith.constant 0 : i32
    %c0_i32_0 = arith.constant 0 : i32
    %c0_i32_1 = arith.constant 0 : i32
    return %c0_i32, %arg0, %c0_i32_0 : i32, i32, i32
  }
  func.func @transform_2(%arg0: i32) -> (i32, i32, i32) {
    %c0_i32 = arith.constant 0 : i32
    %c0_i32_0 = arith.constant 0 : i32
    %c0_i32_1 = arith.constant 0 : i32
    return %c0_i32, %arg0, %c0_i32_0 : i32, i32, i32
  }
  func.func @transform_3(%arg0: i32) -> (i32, i32) {
    %c0_i32 = arith.constant 0 : i32
    %c0_i32_0 = arith.constant 0 : i32
    %c0_i32_1 = arith.constant 0 : i32
    return %c0_i32, %c0_i32_0 : i32, i32
  }
  func.func @transform_4(%arg0: i32) -> (i32, i32) {
    %c0_i32 = arith.constant 0 : i32
    %c0_i32_0 = arith.constant 0 : i32
    %c0_i32_1 = arith.constant 0 : i32
    return %c0_i32, %c0_i32_0 : i32, i32
  }
  func.func @transform_5(%arg0: i32) -> (i32, i32) {
    %c0_i32 = arith.constant 0 : i32
    %c0_i32_0 = arith.constant 0 : i32
    %c0_i32_1 = arith.constant 0 : i32
    return %c0_i32, %c0_i32_0 : i32, i32
  }
  func.func @transform_6(%arg0: i32) -> (i32, i32) {
    %c0_i32 = arith.constant 0 : i32
    %c0_i32_0 = arith.constant 0 : i32
    return %arg0, %c0_i32 : i32, i32
  }
}

</mosaic_0001>

<sc_bundles>
// kernel: kernel.11.cloned.1.call-start
scs
__scs_entry_jumppad:
0x0: {  	(pc) =	sbr.rel $0x88, $3  }
0x1: {  	(tag) =	ssettag $0x0;
	lr =	simm.s32 $0x1  }
0x2: {  	[smem:$0x3F8C] =	sst lr;
	_ =	strace $0xD0000000  }
0x3: {  	_ = 	snop  }
0x4: {  	_ = 	snop  }
0x5: {  	_ = 	snop  }
0x6: {  	_ = 	snop  }
0x7: {  	_ = 	snop  }
__scs_overlays_trampoline_lowered:
0x8: {  	[smem:$0x3F9B] =	sst s0  }
0x9: {  	[smem:$0x3F9C] =	sst s1  }
0xa: {  	[smem:$0x3F9D] =	sst s2  }
0xb: {  	[smem:$0x3F9E] =	sst s3  }
0xc: {  	[smem:$0x3F9F] =	sst s4  }
0xd: {  	[smem:$0x3FA0] =	sst s5  }
0xe: {  	[smem:$0x3FA1] =	sst s6  }
0xf: {  	[smem:$0x3FA2] =	sst s7  }
0x10: {  	[smem:$0x3FA3] =	sst s8  }
0x11: {  	[smem:$0x3FA4] =	sst s9;
	s0 =	simm.s32 @!p0 $0x0  }
0x12: {  	s1 =	sld [smem:$0x3F8A];
	s0 =	simm.s32 @p0 $0x1  }
0x13: {  	[smem:$0x3FA5] =	sst s0;
	s0 =	simm.s32 @!p1 $0x0  }
0x14: {  	s2 =	sld [smem:$0x3F89];
	s0 =	simm.s32 @p1 $0x1  }
0x15: {  	[smem:$0x3FA6] =	sst s0;
	s0 =	simm.s32 @!p2 $0x0  }
0x16: {  	s3 =	sld [smem:$0x3FDB];
	s0 =	simm.s32 @p2 $0x1  }
0x17: {  	s4 =	simm.s32 $0x1BF5;
	[smem:$0x3FA8] =	sst s0  }
0x18: {  	s0 =	sld [smem:$0x3F8B];
	_ =	swait.ge [sflag:s4], $0x0  }
0x19: {  	s7 =	sld [smem:$0x3F8C]  }
0x1a: {  	s8 =	sadd.s32 $0xFFFFE003, lr  }
0x1b: {  	s9 =	sadd.s32 $0xFFFFFEF7, lr;
	s5 =	simm.s32 $0xFFFFFFFF;
	p2 =	slt.u32 s8, $0xFFFFF086  }
0x1c: {  	p1 =	slt.u32 s9, $0xF7A;
	s5 =	simm.s32 @!p2 $0x0  }
0x1d: {  	s5 =	simm.s32 @p1 $0x1;
	p0 =	seq.s32 s7, s2  }
0x1e: {  	s7 =	smul.u32 @!p0 $0xF7A, s2;
	p2 =	seq.s32 @!p0 s5, $0x0  }
0x1f: {  	s9 =	smul.u32 $0xF7A, s1;
	s8 =	simm.s32 @!p0 $0x1BF5;
	p2 =	por !p2, p0  }
0x20: {  	[sflag:s8] =	ssyncset.s32 @!p0 $0xFFFFF086;
	s6 =	sadd.s32 @!p0 s3, s7;
	s7 =	simm.s32 @!p0 $0x108  }
0x21: {  	s3 =	sadd.s32 s3, s9;
	s6 =	sadd.s32 @!p0 $0x88, s6;
	s7 =	simm.s32 @p2 $0x1082  }
0x22: {  	[simem:s7], [sflag:s8] =	dma.local @!p0 [hbm:s6], $0xF7A  }
0x23: {  	s9 =	sor.u32 $0xD0000000, s2;
	s6 =	simm.s32 $0x108;
	_ =	swait.ge @!p0 [sflag:s8], $0x0  }
0x24: {  	s3 =	sadd.s32 $0x88, s3;
	s6 =	simm.s32 @!p1 $0x1082;
	[sflag:s4] =	ssyncset.s32 $0xFFFFF086  }
0x25: {  	[simem:s6], [sflag:s4] =	dma.local [hbm:s3], $0xF7A  }
0x26: {  	[smem:$0x3F8C] =	sst s1;
	(tag) =	ssettag s2;
	_ =	strace s9  }
0x27: {  	s1 =	sld [smem:$0x3F9C]  }
0x28: {  	s2 =	sld [smem:$0x3F9D]  }
0x29: {  	s4 =	sld [smem:$0x3F9F]  }
0x2a: {  	p0 =	seq.s32 s5, $0x0;
	s5 =	sld [smem:$0x3FA0]  }
0x2b: {  	s6 =	sld [smem:$0x3FA1]  }
0x2c: {  	s7 =	sld [smem:$0x3FA2]  }
0x2d: {  	s3 =	simm.s32 $0x108;
	s8 =	sld [smem:$0x3FA3]  }
0x2e: {  	s3 =	simm.s32 @!p0 $0x1082;
	s9 =	sld [smem:$0x3FA4]  }
0x2f: {  	lr =	sadd.s32 s0, s3;
	s0 =	sld [smem:$0x3F9B]  }
0x30: {  	s3 =	sld [smem:$0x3F9E]  }
0x31: {  	[smem:$0x3FA7] =	sst s10  }
0x32: {  	s10 =	sld [smem:$0x3FA5];
	_ =	sdelay $0x3  }
0x33: {  	p0 =	seq.s32 s10, $0x1;
	s10 =	sld [smem:$0x3FA7];
	_ =	sdelay $0x3  }
0x34: {  	[smem:$0x3FA7] =	sst s10  }
0x35: {  	s10 =	sld [smem:$0x3FA6];
	_ =	sdelay $0x3  }
0x36: {  	p1 =	seq.s32 s10, $0x1;
	s10 =	sld [smem:$0x3FA7];
	_ =	sdelay $0x3  }
0x37: {  	[smem:$0x3FA7] =	sst s10  }
0x38: {  	s10 =	sld [smem:$0x3FA8]  }
0x39: {  	_ = 	snop;
	(pc) =	sbr.ind lr, $3  }
0x3a: {  	_ = 	snop  }
0x3b: {  	_ = 	snop  }
0x3c: {  	p2 =	seq.s32 s10, $0x1;
	s10 =	sld [smem:$0x3FA7]  }
0x3d: {  	_ =	shalt  }
0x3e: {  	_ =	shalt  }
0x3f: {  	_ =	shalt  }
0x40: {  	_ =	shalt  }
0x41: {  	_ =	shalt  }
0x42: {  	_ =	shalt  }
0x43: {  	_ =	shalt  }
0x44: {  	_ =	shalt  }
0x45: {  	_ =	shalt  }
0x46: {  	_ =	shalt  }
0x47: {  	_ =	shalt  }
0x48: {  	_ =	shalt  }
0x49: {  	_ =	shalt  }
0x4a: {  	_ =	shalt  }
0x4b: {  	_ =	shalt  }
0x4c: {  	_ =	shalt  }
0x4d: {  	_ =	shalt  }
0x4e: {  	_ =	shalt  }
0x4f: {  	_ =	shalt  }
0x50: {  	_ =	shalt  }
0x51: {  	_ =	shalt  }
0x52: {  	_ =	shalt  }
0x53: {  	_ =	shalt  }
0x54: {  	_ =	shalt  }
0x55: {  	_ =	shalt  }
0x56: {  	_ =	shalt  }
0x57: {  	_ =	shalt  }
0x58: {  	_ =	shalt  }
0x59: {  	_ =	shalt  }
0x5a: {  	_ =	shalt  }
0x5b: {  	_ =	shalt  }
0x5c: {  	_ =	shalt  }
0x5d: {  	_ =	shalt  }
0x5e: {  	_ =	shalt  }
0x5f: {  	_ =	shalt  }
0x60: {  	_ =	shalt  }
0x61: {  	_ =	shalt  }
0x62: {  	_ =	shalt  }
0x63: {  	_ =	shalt  }
0x64: {  	_ =	shalt  }
0x65: {  	_ =	shalt  }
0x66: {  	_ =	shalt  }
0x67: {  	_ =	shalt  }
0x68: {  	_ =	shalt  }
0x69: {  	_ =	shalt  }
0x6a: {  	_ =	shalt  }
0x6b: {  	_ =	shalt  }
0x6c: {  	_ =	shalt  }
0x6d: {  	_ =	shalt  }
0x6e: {  	_ =	shalt  }
0x6f: {  	_ =	shalt  }
0x70: {  	_ =	shalt  }
0x71: {  	_ =	shalt  }
0x72: {  	_ =	shalt  }
0x73: {  	_ =	shalt  }
0x74: {  	_ =	shalt  }
0x75: {  	_ =	shalt  }
0x76: {  	_ =	shalt  }
0x77: {  	_ =	shalt  }
0x78: {  	_ =	shalt  }
0x79: {  	_ =	shalt  }
0x7a: {  	_ =	shalt  }
0x7b: {  	_ =	shalt  }
0x7c: {  	_ =	shalt  }
0x7d: {  	_ =	shalt  }
0x7e: {  	_ =	shalt  }
0x7f: {  	_ =	shalt  }
0x80: {  	_ =	shalt  }
0x81: {  	_ =	shalt  }
0x82: {  	_ =	shalt  }
0x83: {  	_ =	shalt  }
0x84: {  	_ =	shalt  }
0x85: {  	_ =	shalt  }
0x86: {  	_ =	shalt  }
0x87: {  	_ =	shalt  }
.Lfunc_end0:
.L_simem_size_0:
called_computation.1_lowered:
.L_overlay_start_0:
0x88: {  	s2 =	sld [smem:$0x3FD9]  }
0x89: {  	s3 =	sld [smem:$0x3FFE];
	_ =	sdelay $0x1  }
0x8a: {  	s1 =	srdreg.scid  }
0x8b: {  	s0 =	sand.u32 $0x1, s1  }
0x8c: {  	s15 =	sshll.u32 s0, $0xA;
	s2 =	sadd.s32 s3, s2  }
0x8d: {  	s2 =	sadd.s32 s2, s15  }
0x8e: {  	[smem:$0x3FB3] =	sst s2  }
0x8f: {  	_ = 	snop  }
0x90: {  	s2 =	sld [smem:$0x3FD0];
	_ =	sdelay $0x2  }
0x91: {  	s16 =	simm.s32 $0xB;
	s4 =	simm.s32 $0x10  }
0x92: {  	[smem:s4], [sflag:s16] =	dma.local [hbm:s2], $0x1  }
0x93: {  	_ =	swait.eq [sflag:s16], $0x1  }
0x94: {  	[sflag:s16] =	ssyncset.done $0x0  }
0x95: {  	[sflag:s16] =	ssyncadd.s32 $0xFFFFFFFF  }
0x96: {  	s17 =	sld [smem:$0x10];
	(tm) =	ssettm $0x1  }
0x97: {  	s18 =	sld [smem:$0x3FFB];
	_ =	sdelay $0x3  }
0x98: {  	_ =	strace s18  }
0x99: {  	s2 =	sld [smem:$0x3FFC];
	_ =	sdelay $0x3  }
0x9a: {  	_ =	strace s2  }
0x9b: {  	s2 =	sld [smem:$0x3FFD];
	_ =	sdelay $0x3  }
0x9c: {  	_ =	strace s2  }
0x9d: {  	_ =	strace $0x8FFFFFFF  }
0x9e: {  	s19 =	sld [smem:$0x3FDB];
	_ =	sdelay $0x1  }
0x9f: {  	s20 =	simm.s32 $_scs_section_size  }
0xa0: {  	s5 =	simm.s32 $_size__tile_overlayer_lowered;
	s6 =	simm.s32 $_tile_overlayer_lowered  }
0xa1: {  	s7 =	simm.s32 $0x1BFF;
	s21 =	sshll.u32 s6, $0x1;
	s4 =	sadd.s32 s20, s19  }
0xa2: {  	s22 =	simm.s32 $0x0;
	s5 =	sshll.u32 s5, $0x1;
	s6 =	sadd.s32 s21, s4  }
0xa3: {  	[timem:s22], [sflag:s7] =	dma.local [hbm:s6], s5  }
0xa4: {  	_ =	swait.ge [sflag:s7], s5  }
0xa5: {  	s5 =	ssub.s32 $0x0, s5;
	[sflag:s7] =	ssyncset.done $0x0  }
0xa6: {  	[sflag:s7] =	ssyncadd.s32 s5;
	_ =	sdelay $0x1  }
0xa7: {  	s23 =	simm.s32 $0x1B8B  }
0xa8: {  	_ =	swait.ge [sflag:s23], $0x1  }
0xa9: {  	[sflag:s23] =	ssyncset.done $0x0  }
0xaa: {  	[sflag:s23] =	ssyncadd.s32 $0xFFFFFFFF  }
0xab: {  	s5 =	sld [smem:$0x0]  }
0xac: {  	s6 =	sand.u32 $0xFFFFFFFE, s1  }
0xad: {  	p0 =	sne.s32 s1, s6  }
0xae: {  	s6 =	sshll.u32 @p0 s6, $0xE  }
0xaf: {  	s6 =	sadd.s32 @p0 $0x11B8D, s6;
	s7 =	sshll.u32 @p0 s5, $0x11  }
0xb0: {  	s6 =	sor.u32 @p0 s7, s6  }
0xb1: {  	[sflag:s6] =	ssyncadd.remote.s32 @p0 $0x1;
	_ =	sdelay $0x1  }
0xb2: {  	s6 =	simm.s32 @p0 $0x1B8D  }
0xb3: {  	_ =	swait.eq @p0 [sflag:s6], $0x1  }
0xb4: {  	[sflag:s6] =	ssyncadd.s32 @p0 $0xFFFFFFFF  }
0xb5: {  	s7 =	sshll.u32 @!p0 s1, $0xE  }
0xb6: {  	s7 =	sor.u32 @!p0 $0x4000, s7;
	s6 =	simm.s32 @!p0 $0x1B8D  }
0xb7: {  	s5 =	sshll.u32 @!p0 s5, $0x11;
	s7 =	sadd.s32 @!p0 $0x11B8D, s7;
	_ =	swait.eq @!p0 [sflag:s6], $0x1  }
0xb8: {  	s5 =	sor.u32 @!p0 s5, s7;
	[sflag:s6] =	ssyncadd.s32 @!p0 $0xFFFFFFFF  }
0xb9: {  	s25 =	simm.s32 $0x1B8E;
	s24 =	sld [smem:$0x3FFE];
	[sflag:s5] =	ssyncadd.remote.s32 @!p0 $0x1  }
0xba: {  	s26 =	simm.s32 $execute0_lowered;
	[smem:$0x3FD2] =	sst s25  }
0xbb: {  	s6 =	sshll.u32 s26, $0x1;
	_ =	strace $0x8000004C;
	[dreg:$0x1] =	wrdreg $0xFFFFFFFF  }
0xbc: {  	s28 =	simm.s32 $_size_execute0_lowered;
	s4 =	sadd.s32 s4, s6;
	[dreg:$0x0] =	wrdreg $0x0  }
0xbd: {  	s6 =	sshll.u32 s28, $0x1;
	[dreg:$0x2] =	wrdreg s4  }
0xbe: {  	[dreg:$0x3] =	wrdreg s6  }
0xbf: {  	[dreg:$0x4] =	wrdreg $0xC0  }
0xc0: {  	_ =	task [dreg:s22], $0x5FFFF  }
0xc1: {  	[dreg:$0x1] =	wrdreg $0xFFFFFFFF  }
0xc2: {  	[dreg:$0x0] =	wrdreg $0x60  }
0xc3: {  	[dreg:$0x2] =	wrdreg s24  }
0xc4: {  	[dreg:$0x3] =	wrdreg s17  }
0xc5: {  	[dreg:$0x4] =	wrdreg $0xA8000  }
0xc6: {  	[dreg:$0x5] =	wrdreg $0x9  }
0xc7: {  	_ =	task.clear_ibuf [dreg:s22], $0x6FFFF;
	_ =	strace $0x9000004C  }
0xc8: {  	s29 =	simm.s32 $0x9;
	_ =	strace $0x8000004E  }
0xc9: {  	_ =	swait.ge [sflag:s29], $0x1  }
0xca: {  	[sflag:s29] =	ssyncadd.s32 $0xFFFFFFFF  }
0xcb: {  	_ =	strace $0x9000004E  }
0xcc: {  	_ =	sfence  }
0xcd: {  	s30 =	sld [smem:$0x0];
	_ =	sdelay $0x2  }
0xce: {  	s31 =	sshll.u32 s1, $0xD;
	s1 =	sshrl.u32 s1, $0x2  }
0xcf: {  	s4 =	sand.u32 $0x4000, s31;
	s1 =	sadd.s32 s1, s30  }
0xd0: {  	s0 =	sor.u32 s4, s0;
	s1 =	sshll.u32 s1, $0x11  }
0xd1: {  	s0 =	sor.u32 s1, s0  }
0xd2: {  	s0 =	sadd.s32 $0x8F2B, s0  }
0xd3: {  	[sflag:s0] =	ssyncadd.remote.s32 $0x1  }
0xd4: {  	_ =	sfence.sel $0xFFFF  }
0xd5: {  	[dreg:$0x0] =	wrdreg $0xFFFFFFFF;
	(pc) =	sbr.abs _section_cstart, $3  }
0xd6: {  	[dreg:$0x1] =	wrdreg $0xFFFFFFFF  }
0xd7: {  	_ =	task.clear_ibuf [dreg:s22], $0x2FFFF;
	_ =	strace $0x9FFFFFFF  }
0xd8: {  	(tm) =	ssettm $0x7FFFFFFF  }
0xd9: {  	_ =	shalt  }
tec
execute0_lowered:
.L_overlay_start_1:
0x0: {  	(tag) =	ssettag $0x1  }
0x1: {  	s0 =	rddreg [dreg:$0x0]  }
0x2: {  	s3 =	rddreg [dreg:$0x2];
	s4 =	simm.s32 $0x0  }
0x3: {  	s1 =	stileid.u32;
	s5 =	srdreg.scid;
	s28 =	simm.s32 $0x8000  }
0x4: {  	s29 =	simm.s32 $0x50;
	s30 =	simm.s32 $0x1;
	s2 =	smul.u32 $0x4E200, s1  }
0x5: {  	s31 =	simm.s32 $0x0;
	s20 =	sand.u32 $0x1, s5;
	s7 =	smul.u32 $0x2800, s1  }
0x6: {  	[smem:$0x7FF] =	sst s4;
	s17 =	sor.u32 $0x10, s1;
	s5 =	smul.u32 $0x138800, s20  }
0x7: {  	s12 =	sshll.u32 s1, $0xC;
	s18 =	sor.u32 $0x20, s1;
	s13 =	smul.u32 $0x2800, s17  }
0x8: {  	s19 =	sor.u32 $0x30, s1;
	s21 =	sor.u32 $0x40, s1;
	s8 =	smul.u32 $0x2800, s18  }
0x9: {  	s22 =	sor.u32 $0x50, s1;
	s24 =	sor.u32 $0x60, s1;
	s10 =	smul.u32 $0x2800, s19  }
0xa: {  	s25 =	sor.u32 $0x70, s1;
	_ =	strace $0x8000004D;
	s14 =	smul.u32 $0x2800, s22  }
0xb: {  	s6 =	sshll.u32 s20, $0xB;
	s9 =	ssub.s32 $0x2, s20;
	s16 =	smul.u32 $0x2800, s24  }
0xc: {  	s19 =	sshll.u32 s19, $0x7;
	p0 =	sgt.u32 s25, $0x7C;
	s23 =	sadd.s32 s2, s0  }
0xd: {  	s2 =	sor.u32 s6, s12;
	s11 =	sshrl.u32 s9, $0x1;
	s12 =	smul.u32 $0x2800, s21  }
0xe: {  	s19 =	sor.u32 $0x4000, s19;
	s2 =	sadd.s32 s2, s0;
	s15 =	ssub.s32 s9, s11  }
0xf: {  	s7 =	sadd.s32 s5, s7;
	s6 =	sadd.s32 s5, s13;
	s8 =	sadd.s32 s5, s8  }
0x10: {  	s13 =	smul.u32 $0x2800, s25;
	s10 =	sadd.s32 s5, s10;
	s14 =	sadd.s32 s5, s14  }
0x11: {  	s16 =	sadd.s32 s5, s16;
	s12 =	sadd.s32 s5, s12;
	s7 =	sshrl.u32 s7, $0x3  }
0x12: {  	s26 =	sshrl.u32 s6, $0x3;
	s8 =	sshrl.u32 s8, $0x3;
	s10 =	sshrl.u32 s10, $0x3  }
0x13: {  	s15 =	smax.u32 s15, $0x1;
	s13 =	sadd.s32 s5, s13;
	s5 =	sadd.s32 $0xECA400, s0  }
0x14: {  	s0 =	sadd.s32 $0x62600, s0;
	s11 =	sshrl.u32 s12, $0x3;
	s12 =	sshrl.u32 s14, $0x3  }
0x15: {  	s14 =	sshrl.u32 s16, $0x3;
	s16 =	sshll.u32 s1, $0x7;
	s1 =	sshll.u32 s18, $0x7  }
0x16: {  	s6 =	sadd.s32 s0, s7;
	s7 =	sadd.s32 s0, s26;
	s8 =	sadd.s32 s0, s8  }
0x17: {  	s9 =	sadd.s32 s0, s10;
	s10 =	sadd.s32 s0, s11;
	s11 =	sadd.s32 s0, s12  }
0x18: {  	s13 =	sshrl.u32 s13, $0x3;
	s12 =	sadd.s32 s0, s14;
	s14 =	sadd.s32 $0x4400, s2  }
0x19: {  	s16 =	sor.u32 $0x4000, s16;
	s26 =	sshll.u32 s17, $0x7;
	s18 =	sor.u32 $0x4000, s1  }
0x1a: {  	s2 =	sshll.u32 s21, $0x7;
	s21 =	sshll.u32 s22, $0x7;
	s22 =	sshll.u32 s24, $0x7  }
0x1b: {  	s13 =	sadd.s32 s0, s13;
	s17 =	sor.u32 $0x4000, s26;
	s26 =	smul.u32 $0x27100, s20  }
0x1c: {  	s20 =	sor.u32 $0x4000, s2;
	s21 =	sor.u32 $0x4000, s21;
	s22 =	sor.u32 $0x4000, s22  }
0x1d: {  	s24 =	sadd.s32 s26, s23;
	s26 =	sshll.u32 s25, $0x7;
	s25 =	simm.s32 $0x4000  }
0x1e: {  	s23 =	sor.u32 $0x4000, s26;
	s2 =	sadd.s32 $0x13ACC00, s24;
	s26 =	simm.s32 $0x2  }
.LBB2_1:
0x1f: {  	[tilespmem:s25], [sflag:$0x2] =	stream.linear.gather [hbm4b:s5+s4], $0x3E80, $0x38;
	[tilespmem:$0x1E080] =	vst v63  }
0x20: {  	_ =	swait.ge [sflag:s26], $0x3E80  }
0x21: {  	[sflag:s26] =	ssyncset.done $0x0  }
0x22: {  	[sflag:s26] =	ssyncadd.s32 $0xFFFFC180  }
0x23: {  	s0 =	rddreg [dreg:$0x1]  }
0x24: {  	[tilespmem:s28], [sflag:$0x2] =	stream.linear.gather [hbm4b:s0+s4], $0x2800, $0x38;
	[tilespmem:$0x1E080] =	vst v63  }
0x25: {  	_ =	swait.ge [sflag:s26], $0x2800  }
0x26: {  	[sflag:s26] =	ssyncset.done $0x0  }
0x27: {  	[sflag:s26] =	ssyncadd.s32 $0xFFFFD800  }
0x28: {  	[spmem:s3] =	stream.indirect.scatter [tilespmem:s28], [sflag:$0x2], $0x80, s16, s29, $0xb8;
	[tilespmem:$0x1E080] =	vst v63  }
0x29: {  	_ =	swait.ge [sflag:s26], $0x2800  }
0x2a: {  	[sflag:s26] =	ssyncset.done $0x0  }
0x2b: {  	[sflag:s26] =	ssyncadd.s32 $0xFFFFD800  }
0x2c: {  	[spmem:s3] =	stream.indirect.scatter [tilespmem:s28], [sflag:$0x2], $0x80, s17, s29, $0xb8;
	[tilespmem:$0x1E080] =	vst v63  }
0x2d: {  	_ =	swait.ge [sflag:s26], $0x2800  }
0x2e: {  	[sflag:s26] =	ssyncset.done $0x0  }
0x2f: {  	[sflag:s26] =	ssyncadd.s32 $0xFFFFD800  }
0x30: {  	[spmem:s3] =	stream.indirect.scatter [tilespmem:s28], [sflag:$0x2], $0x80, s18, s29, $0xb8;
	[tilespmem:$0x1E080] =	vst v63  }
0x31: {  	_ =	swait.ge [sflag:s26], $0x2800  }
0x32: {  	[sflag:s26] =	ssyncset.done $0x0  }
0x33: {  	[sflag:s26] =	ssyncadd.s32 $0xFFFFD800  }
0x34: {  	[spmem:s3] =	stream.indirect.scatter [tilespmem:s28], [sflag:$0x2], $0x80, s19, s29, $0xb8;
	[tilespmem:$0x1E080] =	vst v63  }
0x35: {  	_ =	swait.ge [sflag:s26], $0x2800  }
0x36: {  	[sflag:s26] =	ssyncset.done $0x0  }
0x37: {  	[sflag:s26] =	ssyncadd.s32 $0xFFFFD800  }
0x38: {  	[spmem:s3] =	stream.indirect.scatter [tilespmem:s28], [sflag:$0x2], $0x80, s20, s29, $0xb8;
	[tilespmem:$0x1E080] =	vst v63  }
0x39: {  	_ =	swait.ge [sflag:s26], $0x2800  }
0x3a: {  	[sflag:s26] =	ssyncset.done $0x0  }
0x3b: {  	[sflag:s26] =	ssyncadd.s32 $0xFFFFD800  }
0x3c: {  	[spmem:s3] =	stream.indirect.scatter [tilespmem:s28], [sflag:$0x2], $0x80, s21, s29, $0xb8;
	[tilespmem:$0x1E080] =	vst v63  }
0x3d: {  	_ =	swait.ge [sflag:s26], $0x2800  }
0x3e: {  	[sflag:s26] =	ssyncset.done $0x0  }
0x3f: {  	[sflag:s26] =	ssyncadd.s32 $0xFFFFD800  }
0x40: {  	[spmem:s3] =	stream.indirect.scatter [tilespmem:s28], [sflag:$0x2], $0x80, s22, s29, $0xb8;
	[tilespmem:$0x1E080] =	vst v63  }
0x41: {  	_ =	swait.ge [sflag:s26], $0x2800  }
0x42: {  	[sflag:s26] =	ssyncset.done $0x0  }
0x43: {  	s24 =	simm.s32 @!p0 $0x8000;
	s0 =	simm.s32 @!p0 $0x50;
	[sflag:s26] =	ssyncadd.s32 $0xFFFFD800  }
0x44: {  	[spmem:s3] =	stream.indirect.scatter @!p0 [tilespmem:s24], [sflag:$0x2], $0x80, s23, s0, $0xb8;
	[tilespmem:$0x1E080] =	vst v63  }
0x45: {  	s0 =	simm.s32 @!p0 $0x2  }
0x46: {  	_ =	swait.ge @!p0 [sflag:s0], $0x2800  }
0x47: {  	[sflag:s0] =	ssyncset.done @!p0 $0x0  }
0x48: {  	[sflag:s0] =	ssyncadd.s32 @!p0 $0xFFFFD800  }
0x49: {  	[bflag:$0x0] =	sbarrier.arrive $0xFFFF  }
0x4a: {  	[tilespmem:s4], [sflag:$0x2] =	stream.linear.gather [hbm4b:s14+s4], $0x3E80, $0x38;
	[tilespmem:$0x1E080] =	vst v63  }
0x4b: {  	_ =	swait.ge [sflag:s26], $0x3E80  }
0x4c: {  	[sflag:s26] =	ssyncset.done $0x0  }
0x4d: {  	[sflag:s26] =	ssyncadd.s32 $0xFFFFC180  }
0x4e: {  	[tilespmem:s28], [sflag:$0x2] =	stream.linear.gather [hbm4b:s2+s4], $0x2800, $0x38;
	[tilespmem:$0x1E080] =	vst v63  }
0x4f: {  	_ =	swait.ge [sflag:s26], $0x2800  }
0x50: {  	[sflag:s26] =	ssyncset.done $0x0  }
0x51: {  	s24 =	simm.s32 $0x0;
	[sflag:s26] =	ssyncadd.s32 $0xFFFFD800  }
0x52: {  	[spmem:s3] =	stream.indirect.scatter.add.f32 [tilespmem:s28], [sflag:$0x2], $0x80, s24, s29, $0xb8;
	[tilespmem:$0x1E080] =	vst v63  }
0x53: {  	_ =	swait.ge [sflag:s26], $0x2800  }
0x54: {  	s0 =	simm.s32 $0x200;
	s24 =	smov.u32 s2;
	[sflag:s26] =	ssyncset.done $0x0  }
.LBB2_2:
0x55: {  	p1 =	sne.s32 s0, $0xF800;
	[sflag:s26] =	ssyncadd.s32 $0xFFFFD800;
	s24 =	sadd.s32 $0x500, s24  }
0x56: {  	[tilespmem:s28], [sflag:$0x2] =	stream.linear.gather [hbm4b:s24+s4], $0x2800, $0x38;
	[tilespmem:$0x1E080] =	vst v63  }
0x57: {  	s1 =	smov.u32 s0;
	s0 =	sadd.s32 $0x200, s0;
	_ =	swait.ge [sflag:s26], $0x2800  }
.Ltmp0:
0x58: {  	[sflag:s26] =	ssyncset.done $0x0;
	(pc) =	sbr.rel @p1 .LBB2_2-.Ltmp0, $4  }
0x59: {  	s1 =	sshra.s32 s1, $0x2;
	[sflag:s26] =	ssyncadd.s32 $0xFFFFD800  }
0x5a: {  	[spmem:s3] =	stream.indirect.scatter.add.f32 [tilespmem:s28], [sflag:$0x2], $0x80, s1, s29, $0xb8;
	[tilespmem:$0x1E080] =	vst v63  }
0x5b: {  	_ =	swait.ge [sflag:s26], $0x2800  }
0x5c: {  	[sflag:s26] =	ssyncset.done $0x0  }
0x5d: {  	[sflag:s26] =	ssyncadd.s32 $0xFFFFD800  }
0x5e: {  	[bflag:$0x0] =	sbarrier.arrive $0xFFFF  }
0x5f: {  	[tilespmem:s28], [sflag:$0x1] =	stream.indirect.gather [spmem:s3], $0x80, s16, s29, $0xb8;
	[tilespmem:$0x1E080] =	vst v63  }
0x60: {  	_ =	swait.ge [sflag:s30], $0x2800  }
0x61: {  	[sflag:s30] =	ssyncset.done $0x0  }
0x62: {  	[sflag:s30] =	ssyncadd.s32 $0xFFFFD800  }
0x63: {  	[hbm4b:s6+s4] =	stream.linear.scatter [tilespmem:s28], [sflag:$0x2], $0x2800, $0x38;
	[tilespmem:$0x1E080] =	vst v63  }
0x64: {  	_ =	swait.ge [sflag:s26], $0x2800  }
0x65: {  	[sflag:s26] =	ssyncset.done $0x0  }
0x66: {  	[sflag:s26] =	ssyncadd.s32 $0xFFFFD800  }
0x67: {  	[tilespmem:s28], [sflag:$0x1] =	stream.indirect.gather [spmem:s3], $0x80, s17, s29, $0xb8;
	[tilespmem:$0x1E080] =	vst v63  }
0x68: {  	_ =	swait.ge [sflag:s30], $0x2800  }
0x69: {  	[sflag:s30] =	ssyncset.done $0x0  }
0x6a: {  	[sflag:s30] =	ssyncadd.s32 $0xFFFFD800  }
0x6b: {  	[hbm4b:s7+s4] =	stream.linear.scatter [tilespmem:s28], [sflag:$0x2], $0x2800, $0x38;
	[tilespmem:$0x1E080] =	vst v63  }
0x6c: {  	_ =	swait.ge [sflag:s26], $0x2800  }
0x6d: {  	[sflag:s26] =	ssyncset.done $0x0  }
0x6e: {  	[sflag:s26] =	ssyncadd.s32 $0xFFFFD800  }
0x6f: {  	[tilespmem:s28], [sflag:$0x1] =	stream.indirect.gather [spmem:s3], $0x80, s18, s29, $0xb8;
	[tilespmem:$0x1E080] =	vst v63  }
0x70: {  	_ =	swait.ge [sflag:s30], $0x2800  }
0x71: {  	[sflag:s30] =	ssyncset.done $0x0  }
0x72: {  	[sflag:s30] =	ssyncadd.s32 $0xFFFFD800  }
0x73: {  	[hbm4b:s8+s4] =	stream.linear.scatter [tilespmem:s28], [sflag:$0x2], $0x2800, $0x38;
	[tilespmem:$0x1E080] =	vst v63  }
0x74: {  	_ =	swait.ge [sflag:s26], $0x2800  }
0x75: {  	[sflag:s26] =	ssyncset.done $0x0  }
0x76: {  	[sflag:s26] =	ssyncadd.s32 $0xFFFFD800  }
0x77: {  	[tilespmem:s28], [sflag:$0x1] =	stream.indirect.gather [spmem:s3], $0x80, s19, s29, $0xb8;
	[tilespmem:$0x1E080] =	vst v63  }
0x78: {  	_ =	swait.ge [sflag:s30], $0x2800  }
0x79: {  	[sflag:s30] =	ssyncset.done $0x0  }
0x7a: {  	[sflag:s30] =	ssyncadd.s32 $0xFFFFD800  }
0x7b: {  	[hbm4b:s9+s4] =	stream.linear.scatter [tilespmem:s28], [sflag:$0x2], $0x2800, $0x38;
	[tilespmem:$0x1E080] =	vst v63  }
0x7c: {  	_ =	swait.ge [sflag:s26], $0x2800  }
0x7d: {  	[sflag:s26] =	ssyncset.done $0x0  }
0x7e: {  	[sflag:s26] =	ssyncadd.s32 $0xFFFFD800  }
0x7f: {  	[tilespmem:s28], [sflag:$0x1] =	stream.indirect.gather [spmem:s3], $0x80, s20, s29, $0xb8;
	[tilespmem:$0x1E080] =	vst v63  }
0x80: {  	_ =	swait.ge [sflag:s30], $0x2800  }
0x81: {  	[sflag:s30] =	ssyncset.done $0x0  }
0x82: {  	[sflag:s30] =	ssyncadd.s32 $0xFFFFD800  }
0x83: {  	[hbm4b:s10+s4] =	stream.linear.scatter [tilespmem:s28], [sflag:$0x2], $0x2800, $0x38;
	[tilespmem:$0x1E080] =	vst v63  }
0x84: {  	_ =	swait.ge [sflag:s26], $0x2800  }
0x85: {  	[sflag:s26] =	ssyncset.done $0x0  }
0x86: {  	[sflag:s26] =	ssyncadd.s32 $0xFFFFD800  }
0x87: {  	[tilespmem:s28], [sflag:$0x1] =	stream.indirect.gather [spmem:s3], $0x80, s21, s29, $0xb8;
	[tilespmem:$0x1E080] =	vst v63  }
0x88: {  	_ =	swait.ge [sflag:s30], $0x2800  }
0x89: {  	[sflag:s30] =	ssyncset.done $0x0  }
0x8a: {  	[sflag:s30] =	ssyncadd.s32 $0xFFFFD800  }
0x8b: {  	[hbm4b:s11+s4] =	stream.linear.scatter [tilespmem:s28], [sflag:$0x2], $0x2800, $0x38;
	[tilespmem:$0x1E080] =	vst v63  }
0x8c: {  	_ =	swait.ge [sflag:s26], $0x2800  }
0x8d: {  	[sflag:s26] =	ssyncset.done $0x0  }
0x8e: {  	[sflag:s26] =	ssyncadd.s32 $0xFFFFD800  }
0x8f: {  	[tilespmem:s28], [sflag:$0x1] =	stream.indirect.gather [spmem:s3], $0x80, s22, s29, $0xb8;
	[tilespmem:$0x1E080] =	vst v63  }
0x90: {  	_ =	swait.ge [sflag:s30], $0x2800  }
0x91: {  	[sflag:s30] =	ssyncset.done $0x0  }
0x92: {  	[sflag:s30] =	ssyncadd.s32 $0xFFFFD800  }
0x93: {  	[hbm4b:s12+s4] =	stream.linear.scatter [tilespmem:s28], [sflag:$0x2], $0x2800, $0x38;
	[tilespmem:$0x1E080] =	vst v63  }
0x94: {  	_ =	swait.ge [sflag:s26], $0x2800  }
0x95: {  	[sflag:s26] =	ssyncset.done $0x0  }
0x96: {  	s0 =	simm.s32 @!p0 $0x50;
	s1 =	simm.s32 @!p0 $0x8000;
	[sflag:s26] =	ssyncadd.s32 $0xFFFFD800  }
0x97: {  	[tilespmem:s1], [sflag:$0x1] =	stream.indirect.gather @!p0 [spmem:s3], $0x80, s23, s0, $0xb8;
	[tilespmem:$0x1E080] =	vst v63  }
0x98: {  	s0 =	simm.s32 @!p0 $0x1  }
0x99: {  	_ =	swait.ge @!p0 [sflag:s0], $0x2800  }
0x9a: {  	s31 =	sadd.s32 $0x1, s31;
	[sflag:s0] =	ssyncset.done @!p0 $0x0  }
0x9b: {  	p1 =	sne.s32 s31, s15;
	[sflag:s0] =	ssyncadd.s32 @!p0 $0xFFFFD800;
	s0 =	simm.s32 @!p0 $0x0  }
0x9c: {  	[hbm4b:s13+s0] =	stream.linear.scatter @!p0 [tilespmem:s1], [sflag:$0x2], $0x2800, $0x38;
	[tilespmem:$0x1E080] =	vst v63  }
.Ltmp1:
0x9d: {  	_ = 	snop;
	(pc) =	sbr.rel @p1 .LBB2_1-.Ltmp1, $4  }
0x9e: {  	s0 =	simm.s32 @!p0 $0x2  }
0x9f: {  	_ =	swait.ge @!p0 [sflag:s0], $0x2800  }
0xa0: {  	[sflag:s0] =	ssyncset.done @!p0 $0x0  }
0xa1: {  	[sflag:s0] =	ssyncadd.s32 @!p0 $0xFFFFD800  }
0xa2: {  	_ =	sfence.sel $0x180000  }
0xa3: {  	[bflag:$0x0] =	sbarrier.arrive $0xFFFF  }
0xa4: {  	_ =	strace $0x9000004D  }
0xa5: {  	s0 =	stileid.u32;
	[bflag:$0x2] =	sbarrier.arrive $0xFFFF  }
0xa6: {  	p0 =	sne.s32 s0, $0x0;
	s0 =	rddreg [dreg:$0x3]  }
0xa7: {  	s0 =	sadd.s32 @!p0 $0x100000, s0  }
0xa8: {  	[sflag:s0] =	ssyncadd.tile.s32 @!p0 $0x1;
	_ =	shalt  }
.Lfunc_end2:
_tile_overlayer_lowered:
.L_overlay_start_2:
0xa9: {  	(tag) =	ssettag $0x2  }
0xaa: {  	s0 =	rddreg [dreg:$0x0];
	s2 =	stileid.u32  }
0xab: {  	s1 =	rddreg [dreg:$0x1];
	p0 =	sne.s32 s2, $0x0  }
0xac: {  	s3 =	rddreg [dreg:$0x2];
	[bflag:$0x3] =	sbarrier.arrive $0xFFFF;
	s2 =	simm.s32 @!p0 $0x1C02  }
0xad: {  	[timem:s3], [sflag:s2] =	dma.local @!p0 [hbm:s0], s1  }
0xae: {  	s0 =	simm.s32 @!p0 $0x2  }
0xaf: {  	_ =	swait.ge @!p0 [sflag:s0], s1  }
0xb0: {  	s1 =	ssub.s32 @!p0 $0x0, s1;
	[sflag:s0] =	ssyncset.done @!p0 $0x0  }
0xb1: {  	[sflag:s0] =	ssyncadd.s32 @!p0 s1  }
0xb2: {  	[bflag:$0x3] =	sbarrier.arrive $0xFFFF  }
0xb3: {  	_ =	shalt  }

// kernel: kernel.14.cloned.1.call-start
scs
__scs_entry_jumppad:
0x0: {  	(pc) =	sbr.rel $0x88, $3  }
0x1: {  	(tag) =	ssettag $0x0;
	lr =	simm.s32 $0x1  }
0x2: {  	[smem:$0x3F8C] =	sst lr;
	_ =	strace $0xD0000000  }
0x3: {  	_ = 	snop  }
0x4: {  	_ = 	snop  }
0x5: {  	_ = 	snop  }
0x6: {  	_ = 	snop  }
0x7: {  	_ = 	snop  }
__scs_overlays_trampoline_lowered:
0x8: {  	[smem:$0x3F9B] =	sst s0  }
0x9: {  	[smem:$0x3F9C] =	sst s1  }
0xa: {  	[smem:$0x3F9D] =	sst s2  }
0xb: {  	[smem:$0x3F9E] =	sst s3  }
0xc: {  	[smem:$0x3F9F] =	sst s4  }
0xd: {  	[smem:$0x3FA0] =	sst s5  }
0xe: {  	[smem:$0x3FA1] =	sst s6  }
0xf: {  	[smem:$0x3FA2] =	sst s7  }
0x10: {  	[smem:$0x3FA3] =	sst s8  }
0x11: {  	[smem:$0x3FA4] =	sst s9;
	s0 =	simm.s32 @!p0 $0x0  }
0x12: {  	s1 =	sld [smem:$0x3F8A];
	s0 =	simm.s32 @p0 $0x1  }
0x13: {  	[smem:$0x3FA5] =	sst s0;
	s0 =	simm.s32 @!p1 $0x0  }
0x14: {  	s2 =	sld [smem:$0x3F89];
	s0 =	simm.s32 @p1 $0x1  }
0x15: {  	[smem:$0x3FA6] =	sst s0;
	s0 =	simm.s32 @!p2 $0x0  }
0x16: {  	s3 =	sld [smem:$0x3FDB];
	s0 =	simm.s32 @p2 $0x1  }
0x17: {  	s4 =	simm.s32 $0x1BF5;
	[smem:$0x3FA8] =	sst s0  }
0x18: {  	s0 =	sld [smem:$0x3F8B];
	_ =	swait.ge [sflag:s4], $0x0  }
0x19: {  	s7 =	sld [smem:$0x3F8C]  }
0x1a: {  	s8 =	sadd.s32 $0xFFFFE003, lr  }
0x1b: {  	s9 =	sadd.s32 $0xFFFFFEF7, lr;
	s5 =	simm.s32 $0xFFFFFFFF;
	p2 =	slt.u32 s8, $0xFFFFF086  }
0x1c: {  	p1 =	slt.u32 s9, $0xF7A;
	s5 =	simm.s32 @!p2 $0x0  }
0x1d: {  	s5 =	simm.s32 @p1 $0x1;
	p0 =	seq.s32 s7, s2  }
0x1e: {  	s7 =	smul.u32 @!p0 $0xF7A, s2;
	p2 =	seq.s32 @!p0 s5, $0x0  }
0x1f: {  	s9 =	smul.u32 $0xF7A, s1;
	s8 =	simm.s32 @!p0 $0x1BF5;
	p2 =	por !p2, p0  }
0x20: {  	[sflag:s8] =	ssyncset.s32 @!p0 $0xFFFFF086;
	s6 =	sadd.s32 @!p0 s3, s7;
	s7 =	simm.s32 @!p0 $0x108  }
0x21: {  	s3 =	sadd.s32 s3, s9;
	s6 =	sadd.s32 @!p0 $0x88, s6;
	s7 =	simm.s32 @p2 $0x1082  }
0x22: {  	[simem:s7], [sflag:s8] =	dma.local @!p0 [hbm:s6], $0xF7A  }
0x23: {  	s9 =	sor.u32 $0xD0000000, s2;
	s6 =	simm.s32 $0x108;
	_ =	swait.ge @!p0 [sflag:s8], $0x0  }
0x24: {  	s3 =	sadd.s32 $0x88, s3;
	s6 =	simm.s32 @!p1 $0x1082;
	[sflag:s4] =	ssyncset.s32 $0xFFFFF086  }
0x25: {  	[simem:s6], [sflag:s4] =	dma.local [hbm:s3], $0xF7A  }
0x26: {  	[smem:$0x3F8C] =	sst s1;
	(tag) =	ssettag s2;
	_ =	strace s9  }
0x27: {  	s1 =	sld [smem:$0x3F9C]  }
0x28: {  	s2 =	sld [smem:$0x3F9D]  }
0x29: {  	s4 =	sld [smem:$0x3F9F]  }
0x2a: {  	p0 =	seq.s32 s5, $0x0;
	s5 =	sld [smem:$0x3FA0]  }
0x2b: {  	s6 =	sld [smem:$0x3FA1]  }
0x2c: {  	s7 =	sld [smem:$0x3FA2]  }
0x2d: {  	s3 =	simm.s32 $0x108;
	s8 =	sld [smem:$0x3FA3]  }
0x2e: {  	s3 =	simm.s32 @!p0 $0x1082;
	s9 =	sld [smem:$0x3FA4]  }
0x2f: {  	lr =	sadd.s32 s0, s3;
	s0 =	sld [smem:$0x3F9B]  }
0x30: {  	s3 =	sld [smem:$0x3F9E]  }
0x31: {  	[smem:$0x3FA7] =	sst s10  }
0x32: {  	s10 =	sld [smem:$0x3FA5];
	_ =	sdelay $0x3  }
0x33: {  	p0 =	seq.s32 s10, $0x1;
	s10 =	sld [smem:$0x3FA7];
	_ =	sdelay $0x3  }
0x34: {  	[smem:$0x3FA7] =	sst s10  }
0x35: {  	s10 =	sld [smem:$0x3FA6];
	_ =	sdelay $0x3  }
0x36: {  	p1 =	seq.s32 s10, $0x1;
	s10 =	sld [smem:$0x3FA7];
	_ =	sdelay $0x3  }
0x37: {  	[smem:$0x3FA7] =	sst s10  }
0x38: {  	s10 =	sld [smem:$0x3FA8]  }
0x39: {  	_ = 	snop;
	(pc) =	sbr.ind lr, $3  }
0x3a: {  	_ = 	snop  }
0x3b: {  	_ = 	snop  }
0x3c: {  	p2 =	seq.s32 s10, $0x1;
	s10 =	sld [smem:$0x3FA7]  }
0x3d: {  	_ =	shalt  }
0x3e: {  	_ =	shalt  }
0x3f: {  	_ =	shalt  }
0x40: {  	_ =	shalt  }
0x41: {  	_ =	shalt  }
0x42: {  	_ =	shalt  }
0x43: {  	_ =	shalt  }
0x44: {  	_ =	shalt  }
0x45: {  	_ =	shalt  }
0x46: {  	_ =	shalt  }
0x47: {  	_ =	shalt  }
0x48: {  	_ =	shalt  }
0x49: {  	_ =	shalt  }
0x4a: {  	_ =	shalt  }
0x4b: {  	_ =	shalt  }
0x4c: {  	_ =	shalt  }
0x4d: {  	_ =	shalt  }
0x4e: {  	_ =	shalt  }
0x4f: {  	_ =	shalt  }
0x50: {  	_ =	shalt  }
0x51: {  	_ =	shalt  }
0x52: {  	_ =	shalt  }
0x53: {  	_ =	shalt  }
0x54: {  	_ =	shalt  }
0x55: {  	_ =	shalt  }
0x56: {  	_ =	shalt  }
0x57: {  	_ =	shalt  }
0x58: {  	_ =	shalt  }
0x59: {  	_ =	shalt  }
0x5a: {  	_ =	shalt  }
0x5b: {  	_ =	shalt  }
0x5c: {  	_ =	shalt  }
0x5d: {  	_ =	shalt  }
0x5e: {  	_ =	shalt  }
0x5f: {  	_ =	shalt  }
0x60: {  	_ =	shalt  }
0x61: {  	_ =	shalt  }
0x62: {  	_ =	shalt  }
0x63: {  	_ =	shalt  }
0x64: {  	_ =	shalt  }
0x65: {  	_ =	shalt  }
0x66: {  	_ =	shalt  }
0x67: {  	_ =	shalt  }
0x68: {  	_ =	shalt  }
0x69: {  	_ =	shalt  }
0x6a: {  	_ =	shalt  }
0x6b: {  	_ =	shalt  }
0x6c: {  	_ =	shalt  }
0x6d: {  	_ =	shalt  }
0x6e: {  	_ =	shalt  }
0x6f: {  	_ =	shalt  }
0x70: {  	_ =	shalt  }
0x71: {  	_ =	shalt  }
0x72: {  	_ =	shalt  }
0x73: {  	_ =	shalt  }
0x74: {  	_ =	shalt  }
0x75: {  	_ =	shalt  }
0x76: {  	_ =	shalt  }
0x77: {  	_ =	shalt  }
0x78: {  	_ =	shalt  }
0x79: {  	_ =	shalt  }
0x7a: {  	_ =	shalt  }
0x7b: {  	_ =	shalt  }
0x7c: {  	_ =	shalt  }
0x7d: {  	_ =	shalt  }
0x7e: {  	_ =	shalt  }
0x7f: {  	_ =	shalt  }
0x80: {  	_ =	shalt  }
0x81: {  	_ =	shalt  }
0x82: {  	_ =	shalt  }
0x83: {  	_ =	shalt  }
0x84: {  	_ =	shalt  }
0x85: {  	_ =	shalt  }
0x86: {  	_ =	shalt  }
0x87: {  	_ =	shalt  }
.Lfunc_end0:
.L_simem_size_0:
called_computation.2_lowered:
.L_overlay_start_0:
0x88: {  	s2 =	sld [smem:$0x3FD9]  }
0x89: {  	s3 =	sld [smem:$0x3FFE];
	_ =	sdelay $0x1  }
0x8a: {  	s1 =	srdreg.scid  }
0x8b: {  	s0 =	sand.u32 $0x1, s1  }
0x8c: {  	s14 =	sshll.u32 s0, $0xA;
	s2 =	sadd.s32 s3, s2  }
0x8d: {  	s2 =	sadd.s32 s2, s14  }
0x8e: {  	[smem:$0x3FB3] =	sst s2  }
0x8f: {  	_ = 	snop  }
0x90: {  	s2 =	sld [smem:$0x3FD0];
	_ =	sdelay $0x2  }
0x91: {  	s15 =	simm.s32 $0xB;
	s4 =	simm.s32 $0x10  }
0x92: {  	[smem:s4], [sflag:s15] =	dma.local [hbm:s2], $0x1  }
0x93: {  	_ =	swait.eq [sflag:s15], $0x1  }
0x94: {  	[sflag:s15] =	ssyncset.done $0x0  }
0x95: {  	[sflag:s15] =	ssyncadd.s32 $0xFFFFFFFF  }
0x96: {  	s16 =	sld [smem:$0x10];
	(tm) =	ssettm $0x1  }
0x97: {  	s17 =	sld [smem:$0x3FFB];
	_ =	sdelay $0x3  }
0x98: {  	_ =	strace s17  }
0x99: {  	s3 =	sld [smem:$0x3FFC];
	_ =	sdelay $0x3  }
0x9a: {  	_ =	strace s3  }
0x9b: {  	s3 =	sld [smem:$0x3FFD];
	_ =	sdelay $0x3  }
0x9c: {  	_ =	strace s3  }
0x9d: {  	_ =	strace $0x8FFFFFFF  }
0x9e: {  	s18 =	sld [smem:$0x3FDB];
	_ =	sdelay $0x1  }
0x9f: {  	s19 =	simm.s32 $_scs_section_size  }
0xa0: {  	s5 =	simm.s32 $_size__tile_overlayer_lowered;
	s6 =	simm.s32 $_tile_overlayer_lowered  }
0xa1: {  	s22 =	simm.s32 $0x1BFF;
	s21 =	sshll.u32 s6, $0x1;
	s3 =	sadd.s32 s19, s18  }
0xa2: {  	s7 =	simm.s32 $0x0;
	s20 =	sshll.u32 s5, $0x1;
	s5 =	sadd.s32 s21, s3  }
0xa3: {  	[timem:s7], [sflag:s22] =	dma.local [hbm:s5], s20  }
0xa4: {  	_ =	swait.ge [sflag:s22], s20  }
0xa5: {  	s4 =	ssub.s32 $0x0, s20;
	[sflag:s22] =	ssyncset.done $0x0  }
0xa6: {  	[sflag:s22] =	ssyncadd.s32 s4;
	_ =	sdelay $0x1  }
0xa7: {  	s23 =	simm.s32 $0x1B8B  }
0xa8: {  	_ =	swait.ge [sflag:s23], $0x1  }
0xa9: {  	[sflag:s23] =	ssyncset.done $0x0  }
0xaa: {  	s25 =	simm.s32 $0x1B8E;
	s24 =	sld [smem:$0x3FFE];
	[sflag:s23] =	ssyncadd.s32 $0xFFFFFFFF  }
0xab: {  	s26 =	simm.s32 $execute0_lowered;
	[smem:$0x3FD2] =	sst s25  }
0xac: {  	s5 =	sshll.u32 s26, $0x1;
	_ =	strace $0x80000049;
	[dreg:$0x1] =	wrdreg $0xFFFFFFFF  }
0xad: {  	s28 =	simm.s32 $_size_execute0_lowered;
	s3 =	sadd.s32 s3, s5;
	[dreg:$0x0] =	wrdreg $0x0  }
0xae: {  	s5 =	sshll.u32 s28, $0x1;
	[dreg:$0x2] =	wrdreg s3  }
0xaf: {  	[dreg:$0x3] =	wrdreg s5  }
0xb0: {  	[dreg:$0x4] =	wrdreg $0xC0  }
0xb1: {  	_ =	task [dreg:s7], $0x5FFFF  }
0xb2: {  	[dreg:$0x1] =	wrdreg $0xFFFFFFFF  }
0xb3: {  	[dreg:$0x0] =	wrdreg $0x60  }
0xb4: {  	[dreg:$0x2] =	wrdreg s24  }
0xb5: {  	[dreg:$0x3] =	wrdreg s16  }
0xb6: {  	[dreg:$0x4] =	wrdreg $0xA8000  }
0xb7: {  	[dreg:$0x5] =	wrdreg $0xA  }
0xb8: {  	_ =	task.clear_ibuf [dreg:s7], $0x6FFFF;
	_ =	strace $0x90000049  }
0xb9: {  	s29 =	simm.s32 $0xA;
	_ =	strace $0x8000004B  }
0xba: {  	_ =	swait.ge [sflag:s29], $0x1  }
0xbb: {  	[sflag:s29] =	ssyncadd.s32 $0xFFFFFFFF  }
0xbc: {  	_ =	strace $0x9000004B  }
0xbd: {  	_ =	sfence  }
0xbe: {  	s30 =	sld [smem:$0x0];
	_ =	sdelay $0x2  }
0xbf: {  	s31 =	sshll.u32 s1, $0xD;
	s1 =	sshrl.u32 s1, $0x2  }
0xc0: {  	s3 =	sand.u32 $0x4000, s31;
	s1 =	sadd.s32 s1, s30  }
0xc1: {  	s0 =	sor.u32 s3, s0;
	s1 =	sshll.u32 s1, $0x11  }
0xc2: {  	s0 =	sor.u32 s1, s0  }
0xc3: {  	s0 =	sadd.s32 $0x8F2B, s0  }
0xc4: {  	[sflag:s0] =	ssyncadd.remote.s32 $0x1  }
0xc5: {  	_ =	sfence.sel $0xFFFF  }
0xc6: {  	[dreg:$0x0] =	wrdreg $0xFFFFFFFF;
	(pc) =	sbr.abs _section_cstart, $3  }
0xc7: {  	[dreg:$0x1] =	wrdreg $0xFFFFFFFF  }
0xc8: {  	_ =	task.clear_ibuf [dreg:s7], $0x2FFFF;
	_ =	strace $0x9FFFFFFF  }
0xc9: {  	(tm) =	ssettm $0x7FFFFFFF  }
tec
execute0_lowered:
.L_overlay_start_1:
0x0: {  	(tag) =	ssettag $0x1  }
0x1: {  	s0 =	rddreg [dreg:$0x0]  }
0x2: {  	s3 =	rddreg [dreg:$0x2];
	s4 =	simm.s32 $0x0  }
0x3: {  	s1 =	stileid.u32;
	s5 =	srdreg.scid;
	s28 =	simm.s32 $0x8000  }
0x4: {  	s29 =	simm.s32 $0x50;
	s30 =	simm.s32 $0x1;
	s2 =	smul.u32 $0x4E200, s1  }
0x5: {  	s31 =	simm.s32 $0x0;
	s20 =	sand.u32 $0x1, s5;
	s7 =	smul.u32 $0x2800, s1  }
0x6: {  	[smem:$0x7FF] =	sst s4;
	s17 =	sor.u32 $0x10, s1;
	s5 =	smul.u32 $0x138800, s20  }
0x7: {  	s12 =	sshll.u32 s1, $0xC;
	s18 =	sor.u32 $0x20, s1;
	s13 =	smul.u32 $0x2800, s17  }
0x8: {  	s19 =	sor.u32 $0x30, s1;
	s21 =	sor.u32 $0x40, s1;
	s8 =	smul.u32 $0x2800, s18  }
0x9: {  	s22 =	sor.u32 $0x50, s1;
	s24 =	sor.u32 $0x60, s1;
	s10 =	smul.u32 $0x2800, s19  }
0xa: {  	s25 =	sor.u32 $0x70, s1;
	_ =	strace $0x8000004A;
	s14 =	smul.u32 $0x2800, s22  }
0xb: {  	s6 =	sshll.u32 s20, $0xB;
	s9 =	ssub.s32 $0x2, s20;
	s16 =	smul.u32 $0x2800, s24  }
0xc: {  	s19 =	sshll.u32 s19, $0x7;
	p0 =	sgt.u32 s25, $0x7C;
	s23 =	sadd.s32 s2, s0  }
0xd: {  	s2 =	sor.u32 s6, s12;
	s11 =	sshrl.u32 s9, $0x1;
	s12 =	smul.u32 $0x2800, s21  }
0xe: {  	s19 =	sor.u32 $0x4000, s19;
	s2 =	sadd.s32 s2, s0;
	s15 =	ssub.s32 s9, s11  }
0xf: {  	s7 =	sadd.s32 s5, s7;
	s6 =	sadd.s32 s5, s13;
	s8 =	sadd.s32 s5, s8  }
0x10: {  	s13 =	smul.u32 $0x2800, s25;
	s10 =	sadd.s32 s5, s10;
	s14 =	sadd.s32 s5, s14  }
0x11: {  	s16 =	sadd.s32 s5, s16;
	s12 =	sadd.s32 s5, s12;
	s7 =	sshrl.u32 s7, $0x3  }
0x12: {  	s26 =	sshrl.u32 s6, $0x3;
	s8 =	sshrl.u32 s8, $0x3;
	s10 =	sshrl.u32 s10, $0x3  }
0x13: {  	s15 =	smax.u32 s15, $0x1;
	s13 =	sadd.s32 s5, s13;
	s5 =	sadd.s32 $0xECA400, s0  }
0x14: {  	s0 =	sadd.s32 $0x14400, s0;
	s11 =	sshrl.u32 s12, $0x3;
	s12 =	sshrl.u32 s14, $0x3  }
0x15: {  	s14 =	sshrl.u32 s16, $0x3;
	s16 =	sshll.u32 s1, $0x7;
	s1 =	sshll.u32 s18, $0x7  }
0x16: {  	s6 =	sadd.s32 s0, s7;
	s7 =	sadd.s32 s0, s26;
	s8 =	sadd.s32 s0, s8  }
0x17: {  	s9 =	sadd.s32 s0, s10;
	s10 =	sadd.s32 s0, s11;
	s11 =	sadd.s32 s0, s12  }
0x18: {  	s13 =	sshrl.u32 s13, $0x3;
	s12 =	sadd.s32 s0, s14;
	s14 =	sadd.s32 $0x4400, s2  }
0x19: {  	s16 =	sor.u32 $0x4000, s16;
	s26 =	sshll.u32 s17, $0x7;
	s18 =	sor.u32 $0x4000, s1  }
0x1a: {  	s2 =	sshll.u32 s21, $0x7;
	s21 =	sshll.u32 s22, $0x7;
	s22 =	sshll.u32 s24, $0x7  }
0x1b: {  	s13 =	sadd.s32 s0, s13;
	s17 =	sor.u32 $0x4000, s26;
	s26 =	smul.u32 $0x27100, s20  }
0x1c: {  	s20 =	sor.u32 $0x4000, s2;
	s21 =	sor.u32 $0x4000, s21;
	s22 =	sor.u32 $0x4000, s22  }
0x1d: {  	s24 =	sadd.s32 s26, s23;
	s26 =	sshll.u32 s25, $0x7;
	s25 =	simm.s32 $0x4000  }
0x1e: {  	s23 =	sor.u32 $0x4000, s26;
	s2 =	sadd.s32 $0xECAC00, s24;
	s26 =	simm.s32 $0x2  }
.LBB2_1:
0x1f: {  	[tilespmem:s25], [sflag:$0x2] =	stream.linear.gather [hbm4b:s5+s4], $0x3E80, $0x38;
	[tilespmem:$0x1E080] =	vst v63  }
0x20: {  	_ =	swait.ge [sflag:s26], $0x3E80  }
0x21: {  	[sflag:s26] =	ssyncset.done $0x0  }
0x22: {  	[sflag:s26] =	ssyncadd.s32 $0xFFFFC180  }
0x23: {  	s0 =	rddreg [dreg:$0x1]  }
0x24: {  	[tilespmem:s28], [sflag:$0x2] =	stream.linear.gather [hbm4b:s0+s4], $0x2800, $0x38;
	[tilespmem:$0x1E080] =	vst v63  }
0x25: {  	_ =	swait.ge [sflag:s26], $0x2800  }
0x26: {  	[sflag:s26] =	ssyncset.done $0x0  }
0x27: {  	[sflag:s26] =	ssyncadd.s32 $0xFFFFD800  }
0x28: {  	[spmem:s3] =	stream.indirect.scatter [tilespmem:s28], [sflag:$0x2], $0x80, s16, s29, $0xb8;
	[tilespmem:$0x1E080] =	vst v63  }
0x29: {  	_ =	swait.ge [sflag:s26], $0x2800  }
0x2a: {  	[sflag:s26] =	ssyncset.done $0x0  }
0x2b: {  	[sflag:s26] =	ssyncadd.s32 $0xFFFFD800  }
0x2c: {  	[spmem:s3] =	stream.indirect.scatter [tilespmem:s28], [sflag:$0x2], $0x80, s17, s29, $0xb8;
	[tilespmem:$0x1E080] =	vst v63  }
0x2d: {  	_ =	swait.ge [sflag:s26], $0x2800  }
0x2e: {  	[sflag:s26] =	ssyncset.done $0x0  }
0x2f: {  	[sflag:s26] =	ssyncadd.s32 $0xFFFFD800  }
0x30: {  	[spmem:s3] =	stream.indirect.scatter [tilespmem:s28], [sflag:$0x2], $0x80, s18, s29, $0xb8;
	[tilespmem:$0x1E080] =	vst v63  }
0x31: {  	_ =	swait.ge [sflag:s26], $0x2800  }
0x32: {  	[sflag:s26] =	ssyncset.done $0x0  }
0x33: {  	[sflag:s26] =	ssyncadd.s32 $0xFFFFD800  }
0x34: {  	[spmem:s3] =	stream.indirect.scatter [tilespmem:s28], [sflag:$0x2], $0x80, s19, s29, $0xb8;
	[tilespmem:$0x1E080] =	vst v63  }
0x35: {  	_ =	swait.ge [sflag:s26], $0x2800  }
0x36: {  	[sflag:s26] =	ssyncset.done $0x0  }
0x37: {  	[sflag:s26] =	ssyncadd.s32 $0xFFFFD800  }
0x38: {  	[spmem:s3] =	stream.indirect.scatter [tilespmem:s28], [sflag:$0x2], $0x80, s20, s29, $0xb8;
	[tilespmem:$0x1E080] =	vst v63  }
0x39: {  	_ =	swait.ge [sflag:s26], $0x2800  }
0x3a: {  	[sflag:s26] =	ssyncset.done $0x0  }
0x3b: {  	[sflag:s26] =	ssyncadd.s32 $0xFFFFD800  }
0x3c: {  	[spmem:s3] =	stream.indirect.scatter [tilespmem:s28], [sflag:$0x2], $0x80, s21, s29, $0xb8;
	[tilespmem:$0x1E080] =	vst v63  }
0x3d: {  	_ =	swait.ge [sflag:s26], $0x2800  }
0x3e: {  	[sflag:s26] =	ssyncset.done $0x0  }
0x3f: {  	[sflag:s26] =	ssyncadd.s32 $0xFFFFD800  }
0x40: {  	[spmem:s3] =	stream.indirect.scatter [tilespmem:s28], [sflag:$0x2], $0x80, s22, s29, $0xb8;
	[tilespmem:$0x1E080] =	vst v63  }
0x41: {  	_ =	swait.ge [sflag:s26], $0x2800  }
0x42: {  	[sflag:s26] =	ssyncset.done $0x0  }
0x43: {  	s24 =	simm.s32 @!p0 $0x8000;
	s0 =	simm.s32 @!p0 $0x50;
	[sflag:s26] =	ssyncadd.s32 $0xFFFFD800  }
0x44: {  	[spmem:s3] =	stream.indirect.scatter @!p0 [tilespmem:s24], [sflag:$0x2], $0x80, s23, s0, $0xb8;
	[tilespmem:$0x1E080] =	vst v63  }
0x45: {  	s0 =	simm.s32 @!p0 $0x2  }
0x46: {  	_ =	swait.ge @!p0 [sflag:s0], $0x2800  }
0x47: {  	[sflag:s0] =	ssyncset.done @!p0 $0x0  }
0x48: {  	[sflag:s0] =	ssyncadd.s32 @!p0 $0xFFFFD800  }
0x49: {  	[bflag:$0x0] =	sbarrier.arrive $0xFFFF  }
0x4a: {  	[tilespmem:s4], [sflag:$0x2] =	stream.linear.gather [hbm4b:s14+s4], $0x3E80, $0x38;
	[tilespmem:$0x1E080] =	vst v63  }
0x4b: {  	_ =	swait.ge [sflag:s26], $0x3E80  }
0x4c: {  	[sflag:s26] =	ssyncset.done $0x0  }
0x4d: {  	[sflag:s26] =	ssyncadd.s32 $0xFFFFC180  }
0x4e: {  	[tilespmem:s28], [sflag:$0x2] =	stream.linear.gather [hbm4b:s2+s4], $0x2800, $0x38;
	[tilespmem:$0x1E080] =	vst v63  }
0x4f: {  	_ =	swait.ge [sflag:s26], $0x2800  }
0x50: {  	[sflag:s26] =	ssyncset.done $0x0  }
0x51: {  	s24 =	simm.s32 $0x0;
	[sflag:s26] =	ssyncadd.s32 $0xFFFFD800  }
0x52: {  	[spmem:s3] =	stream.indirect.scatter.add.f32 [tilespmem:s28], [sflag:$0x2], $0x80, s24, s29, $0xb8;
	[tilespmem:$0x1E080] =	vst v63  }
0x53: {  	_ =	swait.ge [sflag:s26], $0x2800  }
0x54: {  	s0 =	simm.s32 $0x200;
	s24 =	smov.u32 s2;
	[sflag:s26] =	ssyncset.done $0x0  }
.LBB2_2:
0x55: {  	p1 =	sne.s32 s0, $0xF800;
	[sflag:s26] =	ssyncadd.s32 $0xFFFFD800;
	s24 =	sadd.s32 $0x500, s24  }
0x56: {  	[tilespmem:s28], [sflag:$0x2] =	stream.linear.gather [hbm4b:s24+s4], $0x2800, $0x38;
	[tilespmem:$0x1E080] =	vst v63  }
0x57: {  	s1 =	smov.u32 s0;
	s0 =	sadd.s32 $0x200, s0;
	_ =	swait.ge [sflag:s26], $0x2800  }
.Ltmp0:
0x58: {  	[sflag:s26] =	ssyncset.done $0x0;
	(pc) =	sbr.rel @p1 .LBB2_2-.Ltmp0, $4  }
0x59: {  	s1 =	sshra.s32 s1, $0x2;
	[sflag:s26] =	ssyncadd.s32 $0xFFFFD800  }
0x5a: {  	[spmem:s3] =	stream.indirect.scatter.add.f32 [tilespmem:s28], [sflag:$0x2], $0x80, s1, s29, $0xb8;
	[tilespmem:$0x1E080] =	vst v63  }
0x5b: {  	_ =	swait.ge [sflag:s26], $0x2800  }
0x5c: {  	[sflag:s26] =	ssyncset.done $0x0  }
0x5d: {  	[sflag:s26] =	ssyncadd.s32 $0xFFFFD800  }
0x5e: {  	[bflag:$0x0] =	sbarrier.arrive $0xFFFF  }
0x5f: {  	[tilespmem:s28], [sflag:$0x1] =	stream.indirect.gather [spmem:s3], $0x80, s16, s29, $0xb8;
	[tilespmem:$0x1E080] =	vst v63  }
0x60: {  	_ =	swait.ge [sflag:s30], $0x2800  }
0x61: {  	[sflag:s30] =	ssyncset.done $0x0  }
0x62: {  	[sflag:s30] =	ssyncadd.s32 $0xFFFFD800  }
0x63: {  	[hbm4b:s6+s4] =	stream.linear.scatter [tilespmem:s28], [sflag:$0x2], $0x2800, $0x38;
	[tilespmem:$0x1E080] =	vst v63  }
0x64: {  	_ =	swait.ge [sflag:s26], $0x2800  }
0x65: {  	[sflag:s26] =	ssyncset.done $0x0  }
0x66: {  	[sflag:s26] =	ssyncadd.s32 $0xFFFFD800  }
0x67: {  	[tilespmem:s28], [sflag:$0x1] =	stream.indirect.gather [spmem:s3], $0x80, s17, s29, $0xb8;
	[tilespmem:$0x1E080] =	vst v63  }
0x68: {  	_ =	swait.ge [sflag:s30], $0x2800  }
0x69: {  	[sflag:s30] =	ssyncset.done $0x0  }
0x6a: {  	[sflag:s30] =	ssyncadd.s32 $0xFFFFD800  }
0x6b: {  	[hbm4b:s7+s4] =	stream.linear.scatter [tilespmem:s28], [sflag:$0x2], $0x2800, $0x38;
	[tilespmem:$0x1E080] =	vst v63  }
0x6c: {  	_ =	swait.ge [sflag:s26], $0x2800  }
0x6d: {  	[sflag:s26] =	ssyncset.done $0x0  }
0x6e: {  	[sflag:s26] =	ssyncadd.s32 $0xFFFFD800  }
0x6f: {  	[tilespmem:s28], [sflag:$0x1] =	stream.indirect.gather [spmem:s3], $0x80, s18, s29, $0xb8;
	[tilespmem:$0x1E080] =	vst v63  }
0x70: {  	_ =	swait.ge [sflag:s30], $0x2800  }
0x71: {  	[sflag:s30] =	ssyncset.done $0x0  }
0x72: {  	[sflag:s30] =	ssyncadd.s32 $0xFFFFD800  }
0x73: {  	[hbm4b:s8+s4] =	stream.linear.scatter [tilespmem:s28], [sflag:$0x2], $0x2800, $0x38;
	[tilespmem:$0x1E080] =	vst v63  }
0x74: {  	_ =	swait.ge [sflag:s26], $0x2800  }
0x75: {  	[sflag:s26] =	ssyncset.done $0x0  }
0x76: {  	[sflag:s26] =	ssyncadd.s32 $0xFFFFD800  }
0x77: {  	[tilespmem:s28], [sflag:$0x1] =	stream.indirect.gather [spmem:s3], $0x80, s19, s29, $0xb8;
	[tilespmem:$0x1E080] =	vst v63  }
0x78: {  	_ =	swait.ge [sflag:s30], $0x2800  }
0x79: {  	[sflag:s30] =	ssyncset.done $0x0  }
0x7a: {  	[sflag:s30] =	ssyncadd.s32 $0xFFFFD800  }
0x7b: {  	[hbm4b:s9+s4] =	stream.linear.scatter [tilespmem:s28], [sflag:$0x2], $0x2800, $0x38;
	[tilespmem:$0x1E080] =	vst v63  }
0x7c: {  	_ =	swait.ge [sflag:s26], $0x2800  }
0x7d: {  	[sflag:s26] =	ssyncset.done $0x0  }
0x7e: {  	[sflag:s26] =	ssyncadd.s32 $0xFFFFD800  }
0x7f: {  	[tilespmem:s28], [sflag:$0x1] =	stream.indirect.gather [spmem:s3], $0x80, s20, s29, $0xb8;
	[tilespmem:$0x1E080] =	vst v63  }
0x80: {  	_ =	swait.ge [sflag:s30], $0x2800  }
0x81: {  	[sflag:s30] =	ssyncset.done $0x0  }
0x82: {  	[sflag:s30] =	ssyncadd.s32 $0xFFFFD800  }
0x83: {  	[hbm4b:s10+s4] =	stream.linear.scatter [tilespmem:s28], [sflag:$0x2], $0x2800, $0x38;
	[tilespmem:$0x1E080] =	vst v63  }
0x84: {  	_ =	swait.ge [sflag:s26], $0x2800  }
0x85: {  	[sflag:s26] =	ssyncset.done $0x0  }
0x86: {  	[sflag:s26] =	ssyncadd.s32 $0xFFFFD800  }
0x87: {  	[tilespmem:s28], [sflag:$0x1] =	stream.indirect.gather [spmem:s3], $0x80, s21, s29, $0xb8;
	[tilespmem:$0x1E080] =	vst v63  }
0x88: {  	_ =	swait.ge [sflag:s30], $0x2800  }
0x89: {  	[sflag:s30] =	ssyncset.done $0x0  }
0x8a: {  	[sflag:s30] =	ssyncadd.s32 $0xFFFFD800  }
0x8b: {  	[hbm4b:s11+s4] =	stream.linear.scatter [tilespmem:s28], [sflag:$0x2], $0x2800, $0x38;
	[tilespmem:$0x1E080] =	vst v63  }
0x8c: {  	_ =	swait.ge [sflag:s26], $0x2800  }
0x8d: {  	[sflag:s26] =	ssyncset.done $0x0  }
0x8e: {  	[sflag:s26] =	ssyncadd.s32 $0xFFFFD800  }
0x8f: {  	[tilespmem:s28], [sflag:$0x1] =	stream.indirect.gather [spmem:s3], $0x80, s22, s29, $0xb8;
	[tilespmem:$0x1E080] =	vst v63  }
0x90: {  	_ =	swait.ge [sflag:s30], $0x2800  }
0x91: {  	[sflag:s30] =	ssyncset.done $0x0  }
0x92: {  	[sflag:s30] =	ssyncadd.s32 $0xFFFFD800  }
0x93: {  	[hbm4b:s12+s4] =	stream.linear.scatter [tilespmem:s28], [sflag:$0x2], $0x2800, $0x38;
	[tilespmem:$0x1E080] =	vst v63  }
0x94: {  	_ =	swait.ge [sflag:s26], $0x2800  }
0x95: {  	[sflag:s26] =	ssyncset.done $0x0  }
0x96: {  	s0 =	simm.s32 @!p0 $0x50;
	s1 =	simm.s32 @!p0 $0x8000;
	[sflag:s26] =	ssyncadd.s32 $0xFFFFD800  }
0x97: {  	[tilespmem:s1], [sflag:$0x1] =	stream.indirect.gather @!p0 [spmem:s3], $0x80, s23, s0, $0xb8;
	[tilespmem:$0x1E080] =	vst v63  }
0x98: {  	s0 =	simm.s32 @!p0 $0x1  }
0x99: {  	_ =	swait.ge @!p0 [sflag:s0], $0x2800  }
0x9a: {  	s31 =	sadd.s32 $0x1, s31;
	[sflag:s0] =	ssyncset.done @!p0 $0x0  }
0x9b: {  	p1 =	sne.s32 s31, s15;
	[sflag:s0] =	ssyncadd.s32 @!p0 $0xFFFFD800;
	s0 =	simm.s32 @!p0 $0x0  }
0x9c: {  	[hbm4b:s13+s0] =	stream.linear.scatter @!p0 [tilespmem:s1], [sflag:$0x2], $0x2800, $0x38;
	[tilespmem:$0x1E080] =	vst v63  }
.Ltmp1:
0x9d: {  	_ = 	snop;
	(pc) =	sbr.rel @p1 .LBB2_1-.Ltmp1, $4  }
0x9e: {  	s0 =	simm.s32 @!p0 $0x2  }
0x9f: {  	_ =	swait.ge @!p0 [sflag:s0], $0x2800  }
0xa0: {  	[sflag:s0] =	ssyncset.done @!p0 $0x0  }
0xa1: {  	[sflag:s0] =	ssyncadd.s32 @!p0 $0xFFFFD800  }
0xa2: {  	_ =	sfence.sel $0x180000  }
0xa3: {  	[bflag:$0x0] =	sbarrier.arrive $0xFFFF  }
0xa4: {  	_ =	strace $0x9000004A  }
0xa5: {  	s0 =	stileid.u32;
	[bflag:$0x2] =	sbarrier.arrive $0xFFFF  }
0xa6: {  	p0 =	sne.s32 s0, $0x0;
	s0 =	rddreg [dreg:$0x3]  }
0xa7: {  	s0 =	sadd.s32 @!p0 $0x100000, s0  }
0xa8: {  	[sflag:s0] =	ssyncadd.tile.s32 @!p0 $0x1;
	_ =	shalt  }
.Lfunc_end2:
_tile_overlayer_lowered:
.L_overlay_start_2:
0xa9: {  	(tag) =	ssettag $0x2  }
0xaa: {  	s0 =	rddreg [dreg:$0x0];
	s2 =	stileid.u32  }
0xab: {  	s1 =	rddreg [dreg:$0x1];
	p0 =	sne.s32 s2, $0x0  }
0xac: {  	s3 =	rddreg [dreg:$0x2];
	[bflag:$0x3] =	sbarrier.arrive $0xFFFF;
	s2 =	simm.s32 @!p0 $0x1C02  }
0xad: {  	[timem:s3], [sflag:s2] =	dma.local @!p0 [hbm:s0], s1  }
0xae: {  	s0 =	simm.s32 @!p0 $0x2  }
0xaf: {  	_ =	swait.ge @!p0 [sflag:s0], s1  }
0xb0: {  	s1 =	ssub.s32 @!p0 $0x0, s1;
	[sflag:s0] =	ssyncset.done @!p0 $0x0  }
0xb1: {  	[sflag:s0] =	ssyncadd.s32 @!p0 s1  }
0xb2: {  	[bflag:$0x3] =	sbarrier.arrive $0xFFFF  }
0xb3: {  	_ =	shalt  }

// kernel: kernel.8.cloned.1.call-start
scs
__scs_entry_jumppad:
0x0: {  	(pc) =	sbr.rel $0x88, $3  }
0x1: {  	(tag) =	ssettag $0x0;
	lr =	simm.s32 $0x1  }
0x2: {  	[smem:$0x3F8C] =	sst lr;
	_ =	strace $0xD0000000  }
0x3: {  	_ = 	snop  }
0x4: {  	_ = 	snop  }
0x5: {  	_ = 	snop  }
0x6: {  	_ = 	snop  }
0x7: {  	_ = 	snop  }
__scs_overlays_trampoline_lowered:
0x8: {  	[smem:$0x3F9B] =	sst s0  }
0x9: {  	[smem:$0x3F9C] =	sst s1  }
0xa: {  	[smem:$0x3F9D] =	sst s2  }
0xb: {  	[smem:$0x3F9E] =	sst s3  }
0xc: {  	[smem:$0x3F9F] =	sst s4  }
0xd: {  	[smem:$0x3FA0] =	sst s5  }
0xe: {  	[smem:$0x3FA1] =	sst s6  }
0xf: {  	[smem:$0x3FA2] =	sst s7  }
0x10: {  	[smem:$0x3FA3] =	sst s8  }
0x11: {  	[smem:$0x3FA4] =	sst s9;
	s0 =	simm.s32 @!p0 $0x0  }
0x12: {  	s1 =	sld [smem:$0x3F8A];
	s0 =	simm.s32 @p0 $0x1  }
0x13: {  	[smem:$0x3FA5] =	sst s0;
	s0 =	simm.s32 @!p1 $0x0  }
0x14: {  	s2 =	sld [smem:$0x3F89];
	s0 =	simm.s32 @p1 $0x1  }
0x15: {  	[smem:$0x3FA6] =	sst s0;
	s0 =	simm.s32 @!p2 $0x0  }
0x16: {  	s3 =	sld [smem:$0x3FDB];
	s0 =	simm.s32 @p2 $0x1  }
0x17: {  	s4 =	simm.s32 $0x1BF5;
	[smem:$0x3FA8] =	sst s0  }
0x18: {  	s0 =	sld [smem:$0x3F8B];
	_ =	swait.ge [sflag:s4], $0x0  }
0x19: {  	s7 =	sld [smem:$0x3F8C]  }
0x1a: {  	s8 =	sadd.s32 $0xFFFFE003, lr  }
0x1b: {  	s9 =	sadd.s32 $0xFFFFFEF7, lr;
	s5 =	simm.s32 $0xFFFFFFFF;
	p2 =	slt.u32 s8, $0xFFFFF086  }
0x1c: {  	p1 =	slt.u32 s9, $0xF7A;
	s5 =	simm.s32 @!p2 $0x0  }
0x1d: {  	s5 =	simm.s32 @p1 $0x1;
	p0 =	seq.s32 s7, s2  }
0x1e: {  	s7 =	smul.u32 @!p0 $0xF7A, s2;
	p2 =	seq.s32 @!p0 s5, $0x0  }
0x1f: {  	s9 =	smul.u32 $0xF7A, s1;
	s8 =	simm.s32 @!p0 $0x1BF5;
	p2 =	por !p2, p0  }
0x20: {  	[sflag:s8] =	ssyncset.s32 @!p0 $0xFFFFF086;
	s6 =	sadd.s32 @!p0 s3, s7;
	s7 =	simm.s32 @!p0 $0x108  }
0x21: {  	s3 =	sadd.s32 s3, s9;
	s6 =	sadd.s32 @!p0 $0x88, s6;
	s7 =	simm.s32 @p2 $0x1082  }
0x22: {  	[simem:s7], [sflag:s8] =	dma.local @!p0 [hbm:s6], $0xF7A  }
0x23: {  	s9 =	sor.u32 $0xD0000000, s2;
	s6 =	simm.s32 $0x108;
	_ =	swait.ge @!p0 [sflag:s8], $0x0  }
0x24: {  	s3 =	sadd.s32 $0x88, s3;
	s6 =	simm.s32 @!p1 $0x1082;
	[sflag:s4] =	ssyncset.s32 $0xFFFFF086  }
0x25: {  	[simem:s6], [sflag:s4] =	dma.local [hbm:s3], $0xF7A  }
0x26: {  	[smem:$0x3F8C] =	sst s1;
	(tag) =	ssettag s2;
	_ =	strace s9  }
0x27: {  	s1 =	sld [smem:$0x3F9C]  }
0x28: {  	s2 =	sld [smem:$0x3F9D]  }
0x29: {  	s4 =	sld [smem:$0x3F9F]  }
0x2a: {  	p0 =	seq.s32 s5, $0x0;
	s5 =	sld [smem:$0x3FA0]  }
0x2b: {  	s6 =	sld [smem:$0x3FA1]  }
0x2c: {  	s7 =	sld [smem:$0x3FA2]  }
0x2d: {  	s3 =	simm.s32 $0x108;
	s8 =	sld [smem:$0x3FA3]  }
0x2e: {  	s3 =	simm.s32 @!p0 $0x1082;
	s9 =	sld [smem:$0x3FA4]  }
0x2f: {  	lr =	sadd.s32 s0, s3;
	s0 =	sld [smem:$0x3F9B]  }
0x30: {  	s3 =	sld [smem:$0x3F9E]  }
0x31: {  	[smem:$0x3FA7] =	sst s10  }
0x32: {  	s10 =	sld [smem:$0x3FA5];
	_ =	sdelay $0x3  }
0x33: {  	p0 =	seq.s32 s10, $0x1;
	s10 =	sld [smem:$0x3FA7];
	_ =	sdelay $0x3  }
0x34: {  	[smem:$0x3FA7] =	sst s10  }
0x35: {  	s10 =	sld [smem:$0x3FA6];
	_ =	sdelay $0x3  }
0x36: {  	p1 =	seq.s32 s10, $0x1;
	s10 =	sld [smem:$0x3FA7];
	_ =	sdelay $0x3  }
0x37: {  	[smem:$0x3FA7] =	sst s10  }
0x38: {  	s10 =	sld [smem:$0x3FA8]  }
0x39: {  	_ = 	snop;
	(pc) =	sbr.ind lr, $3  }
0x3a: {  	_ = 	snop  }
0x3b: {  	_ = 	snop  }
0x3c: {  	p2 =	seq.s32 s10, $0x1;
	s10 =	sld [smem:$0x3FA7]  }
0x3d: {  	_ =	shalt  }
0x3e: {  	_ =	shalt  }
0x3f: {  	_ =	shalt  }
0x40: {  	_ =	shalt  }
0x41: {  	_ =	shalt  }
0x42: {  	_ =	shalt  }
0x43: {  	_ =	shalt  }
0x44: {  	_ =	shalt  }
0x45: {  	_ =	shalt  }
0x46: {  	_ =	shalt  }
0x47: {  	_ =	shalt  }
0x48: {  	_ =	shalt  }
0x49: {  	_ =	shalt  }
0x4a: {  	_ =	shalt  }
0x4b: {  	_ =	shalt  }
0x4c: {  	_ =	shalt  }
0x4d: {  	_ =	shalt  }
0x4e: {  	_ =	shalt  }
0x4f: {  	_ =	shalt  }
0x50: {  	_ =	shalt  }
0x51: {  	_ =	shalt  }
0x52: {  	_ =	shalt  }
0x53: {  	_ =	shalt  }
0x54: {  	_ =	shalt  }
0x55: {  	_ =	shalt  }
0x56: {  	_ =	shalt  }
0x57: {  	_ =	shalt  }
0x58: {  	_ =	shalt  }
0x59: {  	_ =	shalt  }
0x5a: {  	_ =	shalt  }
0x5b: {  	_ =	shalt  }
0x5c: {  	_ =	shalt  }
0x5d: {  	_ =	shalt  }
0x5e: {  	_ =	shalt  }
0x5f: {  	_ =	shalt  }
0x60: {  	_ =	shalt  }
0x61: {  	_ =	shalt  }
0x62: {  	_ =	shalt  }
0x63: {  	_ =	shalt  }
0x64: {  	_ =	shalt  }
0x65: {  	_ =	shalt  }
0x66: {  	_ =	shalt  }
0x67: {  	_ =	shalt  }
0x68: {  	_ =	shalt  }
0x69: {  	_ =	shalt  }
0x6a: {  	_ =	shalt  }
0x6b: {  	_ =	shalt  }
0x6c: {  	_ =	shalt  }
0x6d: {  	_ =	shalt  }
0x6e: {  	_ =	shalt  }
0x6f: {  	_ =	shalt  }
0x70: {  	_ =	shalt  }
0x71: {  	_ =	shalt  }
0x72: {  	_ =	shalt  }
0x73: {  	_ =	shalt  }
0x74: {  	_ =	shalt  }
0x75: {  	_ =	shalt  }
0x76: {  	_ =	shalt  }
0x77: {  	_ =	shalt  }
0x78: {  	_ =	shalt  }
0x79: {  	_ =	shalt  }
0x7a: {  	_ =	shalt  }
0x7b: {  	_ =	shalt  }
0x7c: {  	_ =	shalt  }
0x7d: {  	_ =	shalt  }
0x7e: {  	_ =	shalt  }
0x7f: {  	_ =	shalt  }
0x80: {  	_ =	shalt  }
0x81: {  	_ =	shalt  }
0x82: {  	_ =	shalt  }
0x83: {  	_ =	shalt  }
0x84: {  	_ =	shalt  }
0x85: {  	_ =	shalt  }
0x86: {  	_ =	shalt  }
0x87: {  	_ =	shalt  }
.Lfunc_end0:
.L_simem_size_0:
called_computation_lowered:
.L_overlay_start_0:
0x88: {  	s2 =	sld [smem:$0x3FD9]  }
0x89: {  	s3 =	sld [smem:$0x3FFE];
	_ =	sdelay $0x1  }
0x8a: {  	s1 =	srdreg.scid  }
0x8b: {  	s0 =	sand.u32 $0x1, s1  }
0x8c: {  	s14 =	sshll.u32 s0, $0xA;
	s2 =	sadd.s32 s3, s2  }
0x8d: {  	s2 =	sadd.s32 s2, s14  }
0x8e: {  	[smem:$0x3FB3] =	sst s2  }
0x8f: {  	_ = 	snop  }
0x90: {  	s2 =	sld [smem:$0x3FD0];
	_ =	sdelay $0x2  }
0x91: {  	s15 =	simm.s32 $0xB;
	s4 =	simm.s32 $0x10  }
0x92: {  	[smem:s4], [sflag:s15] =	dma.local [hbm:s2], $0x1  }
0x93: {  	_ =	swait.eq [sflag:s15], $0x1  }
0x94: {  	[sflag:s15] =	ssyncset.done $0x0  }
0x95: {  	s16 =	sld [smem:$0x10];
	[sflag:s15] =	ssyncadd.s32 $0xFFFFFFFF  }
0x96: {  	s17 =	sld [smem:$0x11];
	(tm) =	ssettm $0x1  }
0x97: {  	s18 =	sld [smem:$0x3FFB];
	_ =	sdelay $0x3  }
0x98: {  	_ =	strace s18  }
0x99: {  	s4 =	sld [smem:$0x3FFC];
	_ =	sdelay $0x3  }
0x9a: {  	_ =	strace s4  }
0x9b: {  	s4 =	sld [smem:$0x3FFD];
	_ =	sdelay $0x3  }
0x9c: {  	_ =	strace s4  }
0x9d: {  	_ =	strace $0x8FFFFFFF  }
0x9e: {  	s19 =	sld [smem:$0x3FDB];
	_ =	sdelay $0x1  }
0x9f: {  	s5 =	simm.s32 $_scs_section_size  }
0xa0: {  	s6 =	simm.s32 $_size__tile_overlayer_lowered;
	s7 =	simm.s32 $_tile_overlayer_lowered  }
0xa1: {  	s22 =	simm.s32 $0x1BFF;
	s21 =	sshll.u32 s7, $0x1;
	s4 =	sadd.s32 s5, s19  }
0xa2: {  	s8 =	simm.s32 $0x0;
	s20 =	sshll.u32 s6, $0x1;
	s6 =	sadd.s32 s21, s4  }
0xa3: {  	[timem:s8], [sflag:s22] =	dma.local [hbm:s6], s20  }
0xa4: {  	_ =	swait.ge [sflag:s22], s20  }
0xa5: {  	s5 =	ssub.s32 $0x0, s20;
	[sflag:s22] =	ssyncset.done $0x0  }
0xa6: {  	[sflag:s22] =	ssyncadd.s32 s5;
	_ =	sdelay $0x1  }
0xa7: {  	s23 =	simm.s32 $0x1B8B  }
0xa8: {  	_ =	swait.ge [sflag:s23], $0x1  }
0xa9: {  	[sflag:s23] =	ssyncset.done $0x0  }
0xaa: {  	s25 =	simm.s32 $0x1B8E;
	s24 =	sld [smem:$0x3FFE];
	[sflag:s23] =	ssyncadd.s32 $0xFFFFFFFF  }
0xab: {  	s26 =	simm.s32 $execute0_lowered;
	[smem:$0x3FD2] =	sst s25  }
0xac: {  	s6 =	sshll.u32 s26, $0x1;
	_ =	strace $0x80000046;
	[dreg:$0x1] =	wrdreg $0xFFFFFFFF  }
0xad: {  	s28 =	simm.s32 $_size_execute0_lowered;
	s4 =	sadd.s32 s4, s6;
	[dreg:$0x0] =	wrdreg $0x0  }
0xae: {  	s6 =	sshll.u32 s28, $0x1;
	[dreg:$0x2] =	wrdreg s4  }
0xaf: {  	[dreg:$0x3] =	wrdreg s6  }
0xb0: {  	[dreg:$0x4] =	wrdreg $0xC0  }
0xb1: {  	_ =	task [dreg:s8], $0x5FFFF  }
0xb2: {  	[dreg:$0x1] =	wrdreg $0xFFFFFFFF  }
0xb3: {  	[dreg:$0x0] =	wrdreg $0x60  }
0xb4: {  	[dreg:$0x2] =	wrdreg s17  }
0xb5: {  	[dreg:$0x3] =	wrdreg s16  }
0xb6: {  	[dreg:$0x4] =	wrdreg s24  }
0xb7: {  	[dreg:$0x5] =	wrdreg $0x9  }
0xb8: {  	_ =	task.clear_ibuf [dreg:s8], $0x6FFFF;
	_ =	strace $0x90000046  }
0xb9: {  	s29 =	simm.s32 $0x9;
	_ =	strace $0x80000048  }
0xba: {  	_ =	swait.ge [sflag:s29], $0x1  }
0xbb: {  	[sflag:s29] =	ssyncadd.s32 $0xFFFFFFFF  }
0xbc: {  	_ =	strace $0x90000048  }
0xbd: {  	_ =	sfence  }
0xbe: {  	s30 =	sld [smem:$0x0];
	_ =	sdelay $0x2  }
0xbf: {  	s31 =	sshll.u32 s1, $0xD;
	s1 =	sshrl.u32 s1, $0x2  }
0xc0: {  	s3 =	sand.u32 $0x4000, s31;
	s1 =	sadd.s32 s1, s30  }
0xc1: {  	s0 =	sor.u32 s3, s0;
	s1 =	sshll.u32 s1, $0x11  }
0xc2: {  	s0 =	sor.u32 s1, s0  }
0xc3: {  	s0 =	sadd.s32 $0x8F2B, s0  }
0xc4: {  	[sflag:s0] =	ssyncadd.remote.s32 $0x1  }
0xc5: {  	_ =	sfence.sel $0xFFFF  }
0xc6: {  	[dreg:$0x0] =	wrdreg $0xFFFFFFFF;
	(pc) =	sbr.abs _section_cstart, $3  }
0xc7: {  	[dreg:$0x1] =	wrdreg $0xFFFFFFFF  }
0xc8: {  	_ =	task.clear_ibuf [dreg:s8], $0x2FFFF;
	_ =	strace $0x9FFFFFFF  }
0xc9: {  	(tm) =	ssettm $0x7FFFFFFF  }
tec
execute0_lowered:
.L_overlay_start_1:
0x0: {  	(tag) =	ssettag $0x1  }
0x1: {  	s1 =	rddreg [dreg:$0x0]  }
0x2: {  	s3 =	rddreg [dreg:$0x1];
	s0 =	srdreg.scid  }
0x3: {  	s12 =	stileid.u32;
	s2 =	rddreg [dreg:$0x2]  }
0x4: {  	s4 =	simm.s32 $0x0;
	s18 =	simm.s32 $0x10000;
	s19 =	simm.s32 $0x10800  }
0x5: {  	s20 =	simm.s32 $0x11000;
	s21 =	simm.s32 $0x11800;
	s22 =	simm.s32 $0x12000  }
0x6: {  	s23 =	simm.s32 $0x12800;
	s24 =	simm.s32 $0x13000;
	s28 =	simm.s32 $0x14800  }
0x7: {  	s29 =	simm.s32 $0x1;
	s30 =	simm.s32 $0x2;
	s31 =	simm.s32 $0x3  }
0x8: {  	s0 =	sand.u32 $0x1, s0;
	s5 =	sshll.u32 s12, $0x1;
	[smem:$0x7FF] =	sst s4  }
0x9: {  	s10 =	smul.u32 $0x9C400, s12;
	_ =	strace $0x80000047;
	[dreg:$0x4] =	wrdreg s18  }
0xa: {  	s7 =	sadd.s32 $0x24400, s2;
	s12 =	smul.u32 $0x4E200, s12;
	[dreg:$0x5] =	wrdreg s19  }
0xb: {  	s5 =	sor.u32 s0, s5;
	s25 =	smul.u32 $0x4E200, s0;
	[dreg:$0x6] =	wrdreg s20  }
0xc: {  	s8 =	ssub.s32 $0x2, s0;
	s0 =	smul.u32 $0x27100, s0;
	[dreg:$0x7] =	wrdreg s21  }
0xd: {  	s18 =	simm.s32 $0xA000;
	s19 =	simm.s32 $0xA800;
	[dreg:$0x8] =	wrdreg s22  }
0xe: {  	s20 =	simm.s32 $0xB000;
	s21 =	simm.s32 $0xB800;
	[dreg:$0x9] =	wrdreg s23  }
0xf: {  	s22 =	simm.s32 $0xC000;
	s23 =	simm.s32 $0xC800;
	[dreg:$0xa] =	wrdreg s24  }
0x10: {  	s24 =	simm.s32 $0x50;
	s6 =	sshll.u32 s5, $0xB;
	s5 =	smul.u32 $0x2710, s5  }
0x11: {  	s9 =	sshrl.u32 s8, $0x1;
	s14 =	sadd.s32 s10, s7;
	s6 =	sadd.s32 s6, s2  }
0x12: {  	s2 =	sadd.s32 $0x9E8400, s2;
	s8 =	ssub.s32 s8, s9;
	s16 =	sadd.s32 s25, s14  }
0x13: {  	s14 =	simm.s32 $0x8000;
	s25 =	simm.s32 $0x13800;
	s5 =	sadd.s32 $0x26C0, s5  }
0x14: {  	s11 =	sadd.s32 $0x14400, s6;
	s6 =	sadd.s32 $0x4400, s6;
	s15 =	sadd.s32 s12, s2  }
0x15: {  	s17 =	smax.u32 s8, $0x1;
	s12 =	simm.s32 $0x5;
	[dreg:$0xb] =	wrdreg s25  }
0x16: {  	s25 =	simm.s32 $0xD000;
	[dreg:$0xd] =	wrdreg s11;
	s26 =	sshll.u32 s5, $0x5  }
0x17: {  	[dreg:$0xe] =	wrdreg s6;
	s5 =	sshll.u32 s5, $0x4;
	s0 =	sadd.s32 s0, s15  }
0x18: {  	[dreg:$0x11] =	wrdreg s17;
	s6 =	sadd.s32 $0xA00, s16;
	s15 =	simm.s32 $0x8800  }
0x19: {  	s16 =	simm.s32 $0x9000;
	s17 =	simm.s32 $0x9800;
	s13 =	sadd.s32 s7, s26  }
0x1a: {  	v2 =	vlaneseq.u32;
	s2 =	sadd.s32 s2, s5;
	s5 =	sadd.s32 $0x500, s0;
	[dreg:$0xf] =	wrdreg s13  }
0x1b: {  	vm0 =	vmmov $0xffff;
	v1 =	vshrl.u32 v2, $0x3;
	s26 =	simm.s32 $0x14000;
	s0 =	simm.s32 $0x0;
	[dreg:$0x10] =	wrdreg s2  }
0x1c: {  	v0 =	vand.u32 $0x7, v2;
	v2 =	vor.u32 $0x8, v2;
	v1 =	vmul.u32 $0x8, v1;
	[dreg:$0xc] =	wrdreg s26;
	s26 =	simm.s32 $0xF800;
	s2 =	simm.s32 $0x4  }
.LBB2_1:
0x1d: {  	s7 =	rddreg [dreg:$0xd]  }
0x1e: {  	[tilespmem:s4], [sflag:$0x5] =	stream.linear.gather [hbm4b:s7+s4], $0x3E80, $0x38;
	[tilespmem:$0x17000] =	vst v63  }
0x1f: {  	_ =	swait.ge [sflag:s12], $0x3E80  }
0x20: {  	[sflag:s12] =	ssyncset.done $0x0  }
0x21: {  	s8 =	simm.s32 $0x4000;
	s13 =	rddreg [dreg:$0xe];
	[sflag:s12] =	ssyncadd.s32 $0xFFFFC180  }
0x22: {  	[tilespmem:s8], [sflag:$0x5] =	stream.linear.gather [hbm4b:s13+s4], $0x3E80, $0x38;
	[tilespmem:$0x17000] =	vst v63  }
0x23: {  	_ =	swait.ge [sflag:s12], $0x3E80  }
0x24: {  	[sflag:s12] =	ssyncset.done $0x0  }
0x25: {  	[sflag:s12] =	ssyncadd.s32 $0xFFFFC180  }
0x26: {  	v3 =	vld [tilespmem:$0x0];
	_ =	sdelay $0x4  }
0x27: {  	v4 =	vshll.u32 v3, $0x1  }
0x28: {  	v3 =	vand.u32 $0x7, v3;
	v4 =	vand.u32 $0xFFFFFFF0, v4  }
0x29: {  	v3 =	vor.u32 v3, v4  }
0x2a: {  	v4 =	vperm.xlane v3, v0;
	_ =	sdelay $0x1  }
0x2b: {  	v3 =	vperm.xlane v3, v2;
	v4 =	vadd.s32 v1, v4;
	_ =	sdelay $0x1  }
0x2c: {  	v3 =	vadd.s32 v1, v3;
	_ =	sdelay $0x2  }
0x2d: {  	[tilespmem:s14], [sflag:$0x1] =	stream.indirect_vreg.gather [hbm4b:s1+s4], $0x80, v4, vm0, $0xb8;
	[tilespmem:$0x17000] =	vst v63  }
0x2e: {  	_ = 	snop  }
0x2f: {  	[tilespmem:s15], [sflag:$0x1] =	stream.indirect_vreg.gather [hbm4b:s1+s4], $0x80, v3, vm0, $0xb8;
	[tilespmem:$0x17000] =	vst v63  }
0x30: {  	v3 =	vld [tilespmem:$0x10];
	_ =	sdelay $0x4  }
0x31: {  	v60 =	vshll.u32 v3, $0x1  }
0x32: {  	v3 =	vand.u32 $0x7, v3;
	v4 =	vand.u32 $0xFFFFFFF0, v60  }
0x33: {  	v3 =	vor.u32 v3, v4  }
0x34: {  	v4 =	vperm.xlane v3, v0;
	_ =	sdelay $0x1  }
0x35: {  	v3 =	vperm.xlane v3, v2;
	v4 =	vadd.s32 v1, v4;
	_ =	sdelay $0x1  }
0x36: {  	v3 =	vadd.s32 v1, v3;
	_ =	sdelay $0x2  }
0x37: {  	[tilespmem:s16], [sflag:$0x1] =	stream.indirect_vreg.gather [hbm4b:s1+s4], $0x80, v4, vm0, $0xb8;
	[tilespmem:$0x17000] =	vst v63  }
0x38: {  	_ = 	snop  }
0x39: {  	[tilespmem:s17], [sflag:$0x1] =	stream.indirect_vreg.gather [hbm4b:s1+s4], $0x80, v3, vm0, $0xb8;
	[tilespmem:$0x17000] =	vst v63  }
0x3a: {  	v3 =	vld [tilespmem:$0x20];
	_ =	sdelay $0x4  }
0x3b: {  	v61 =	vshll.u32 v3, $0x1  }
0x3c: {  	v3 =	vand.u32 $0x7, v3;
	v4 =	vand.u32 $0xFFFFFFF0, v61  }
0x3d: {  	v3 =	vor.u32 v3, v4  }
0x3e: {  	v4 =	vperm.xlane v3, v0;
	_ =	sdelay $0x1  }
0x3f: {  	v3 =	vperm.xlane v3, v2;
	v4 =	vadd.s32 v1, v4;
	_ =	sdelay $0x1  }
0x40: {  	v3 =	vadd.s32 v1, v3;
	_ =	sdelay $0x2  }
0x41: {  	[tilespmem:s18], [sflag:$0x1] =	stream.indirect_vreg.gather [hbm4b:s1+s4], $0x80, v4, vm0, $0xb8;
	[tilespmem:$0x17000] =	vst v63  }
0x42: {  	_ = 	snop  }
0x43: {  	[tilespmem:s19], [sflag:$0x1] =	stream.indirect_vreg.gather [hbm4b:s1+s4], $0x80, v3, vm0, $0xb8;
	[tilespmem:$0x17000] =	vst v63  }
0x44: {  	v3 =	vld [tilespmem:$0x30];
	_ =	sdelay $0x4  }
0x45: {  	v62 =	vshll.u32 v3, $0x1  }
0x46: {  	v3 =	vand.u32 $0x7, v3;
	v4 =	vand.u32 $0xFFFFFFF0, v62  }
0x47: {  	v3 =	vor.u32 v3, v4  }
0x48: {  	v4 =	vperm.xlane v3, v0;
	_ =	sdelay $0x1  }
0x49: {  	v3 =	vperm.xlane v3, v2;
	v4 =	vadd.s32 v1, v4;
	_ =	sdelay $0x1  }
0x4a: {  	v3 =	vadd.s32 v1, v3;
	_ =	sdelay $0x2  }
0x4b: {  	[tilespmem:s20], [sflag:$0x1] =	stream.indirect_vreg.gather [hbm4b:s1+s4], $0x80, v4, vm0, $0xb8;
	[tilespmem:$0x17000] =	vst v63  }
0x4c: {  	_ = 	snop  }
0x4d: {  	[tilespmem:s21], [sflag:$0x1] =	stream.indirect_vreg.gather [hbm4b:s1+s4], $0x80, v3, vm0, $0xb8;
	[tilespmem:$0x17000] =	vst v63  }
0x4e: {  	v3 =	vld [tilespmem:$0x40];
	_ =	sdelay $0x4  }
0x4f: {  	v63 =	vshll.u32 v3, $0x1  }
0x50: {  	v3 =	vand.u32 $0x7, v3;
	v4 =	vand.u32 $0xFFFFFFF0, v63  }
0x51: {  	v3 =	vor.u32 v3, v4  }
0x52: {  	v4 =	vperm.xlane v3, v0;
	_ =	sdelay $0x1  }
0x53: {  	v3 =	vperm.xlane v3, v2;
	v4 =	vadd.s32 v1, v4;
	_ =	sdelay $0x1  }
0x54: {  	v3 =	vadd.s32 v1, v3;
	_ =	sdelay $0x2  }
0x55: {  	[tilespmem:s22], [sflag:$0x1] =	stream.indirect_vreg.gather [hbm4b:s1+s4], $0x80, v4, vm0, $0xb8;
	[tilespmem:$0x17000] =	vst v63  }
0x56: {  	_ = 	snop  }
0x57: {  	[tilespmem:s23], [sflag:$0x1] =	stream.indirect_vreg.gather [hbm4b:s1+s4], $0x80, v3, vm0, $0xb8;
	[tilespmem:$0x17000] =	vst v63  }
0x58: {  	s11 =	smov.u32 s5;
	s10 =	smov.u32 s6;
	s7 =	simm.s32 $0x0  }
0x59: {  	[tilespmem:s25], [sflag:$0x2] =	stream.indirect.gather [hbm4b:s3+s24], $0x80, s8, s24, $0xb8;
	[tilespmem:$0x17000] =	vst v63  }
.LBB2_2:
0x5a: {  	s8 =	sshra.s32 s7, $0x2  }
0x5b: {  	v3 =	vld [tilespmem:s8+$0x80];
	_ =	sdelay $0x4  }
0x5c: {  	v4 =	vshll.u32 v3, $0x1  }
0x5d: {  	v3 =	vand.u32 $0x7, v3;
	v4 =	vand.u32 $0xFFFFFFF0, v4  }
0x5e: {  	v3 =	vor.u32 v3, v4  }
0x5f: {  	v4 =	vperm.xlane v3, v0;
	_ =	sdelay $0x1  }
0x60: {  	v3 =	vperm.xlane v3, v2;
	v4 =	vadd.s32 v1, v4;
	_ =	sdelay $0x1  }
0x61: {  	v3 =	vadd.s32 v1, v3;
	_ =	sdelay $0x2  }
0x62: {  	[tilespmem:s26], [sflag:$0x3] =	stream.indirect_vreg.gather [hbm4b:s1+s4], $0x80, v4, vm0, $0xb8;
	[tilespmem:$0x17000] =	vst v63  }
0x63: {  	s13 =	rddreg [dreg:$0x4]  }
0x64: {  	[tilespmem:s13], [sflag:$0x3] =	stream.indirect_vreg.gather [hbm4b:s1+s4], $0x80, v3, vm0, $0xb8;
	[tilespmem:$0x17000] =	vst v63  }
0x65: {  	v3 =	vld [tilespmem:s8+$0x90];
	_ =	sdelay $0x4  }
0x66: {  	v55 =	vshll.u32 v3, $0x1  }
0x67: {  	v3 =	vand.u32 $0x7, v3;
	v4 =	vand.u32 $0xFFFFFFF0, v55  }
0x68: {  	v3 =	vor.u32 v3, v4  }
0x69: {  	v4 =	vperm.xlane v3, v0;
	_ =	sdelay $0x1  }
0x6a: {  	v3 =	vperm.xlane v3, v2;
	v4 =	vadd.s32 v1, v4;
	_ =	sdelay $0x1  }
0x6b: {  	v3 =	vadd.s32 v1, v3;
	_ =	sdelay $0x1  }
0x6c: {  	s13 =	rddreg [dreg:$0x5]  }
0x6d: {  	[tilespmem:s13], [sflag:$0x3] =	stream.indirect_vreg.gather [hbm4b:s1+s4], $0x80, v4, vm0, $0xb8;
	[tilespmem:$0x17000] =	vst v63  }
0x6e: {  	s9 =	rddreg [dreg:$0x6]  }
0x6f: {  	[tilespmem:s9], [sflag:$0x3] =	stream.indirect_vreg.gather [hbm4b:s1+s4], $0x80, v3, vm0, $0xb8;
	[tilespmem:$0x17000] =	vst v63  }
0x70: {  	v3 =	vld [tilespmem:s8+$0xA0];
	_ =	sdelay $0x4  }
0x71: {  	v56 =	vshll.u32 v3, $0x1  }
0x72: {  	v3 =	vand.u32 $0x7, v3;
	v4 =	vand.u32 $0xFFFFFFF0, v56  }
0x73: {  	v3 =	vor.u32 v3, v4  }
0x74: {  	v4 =	vperm.xlane v3, v0;
	_ =	sdelay $0x1  }
0x75: {  	v3 =	vperm.xlane v3, v2;
	v4 =	vadd.s32 v1, v4;
	_ =	sdelay $0x1  }
0x76: {  	v3 =	vadd.s32 v1, v3;
	_ =	sdelay $0x1  }
0x77: {  	s9 =	rddreg [dreg:$0x7]  }
0x78: {  	[tilespmem:s9], [sflag:$0x3] =	stream.indirect_vreg.gather [hbm4b:s1+s4], $0x80, v4, vm0, $0xb8;
	[tilespmem:$0x17000] =	vst v63  }
0x79: {  	s13 =	rddreg [dreg:$0x8]  }
0x7a: {  	[tilespmem:s13], [sflag:$0x3] =	stream.indirect_vreg.gather [hbm4b:s1+s4], $0x80, v3, vm0, $0xb8;
	[tilespmem:$0x17000] =	vst v63  }
0x7b: {  	v3 =	vld [tilespmem:s8+$0xB0];
	_ =	sdelay $0x4  }
0x7c: {  	v57 =	vshll.u32 v3, $0x1  }
0x7d: {  	v3 =	vand.u32 $0x7, v3;
	v4 =	vand.u32 $0xFFFFFFF0, v57  }
0x7e: {  	v3 =	vor.u32 v3, v4  }
0x7f: {  	v4 =	vperm.xlane v3, v0;
	_ =	sdelay $0x1  }
0x80: {  	v3 =	vperm.xlane v3, v2;
	v4 =	vadd.s32 v1, v4;
	_ =	sdelay $0x1  }
0x81: {  	v3 =	vadd.s32 v1, v3;
	_ =	sdelay $0x1  }
0x82: {  	s9 =	rddreg [dreg:$0x9]  }
0x83: {  	[tilespmem:s9], [sflag:$0x3] =	stream.indirect_vreg.gather [hbm4b:s1+s4], $0x80, v4, vm0, $0xb8;
	[tilespmem:$0x17000] =	vst v63  }
0x84: {  	s13 =	rddreg [dreg:$0xa]  }
0x85: {  	[tilespmem:s13], [sflag:$0x3] =	stream.indirect_vreg.gather [hbm4b:s1+s4], $0x80, v3, vm0, $0xb8;
	[tilespmem:$0x17000] =	vst v63  }
0x86: {  	v3 =	vld [tilespmem:s8+$0xC0];
	_ =	sdelay $0x4  }
0x87: {  	v58 =	vshll.u32 v3, $0x1  }
0x88: {  	v3 =	vand.u32 $0x7, v3;
	v4 =	vand.u32 $0xFFFFFFF0, v58  }
0x89: {  	v3 =	vor.u32 v3, v4  }
0x8a: {  	v4 =	vperm.xlane v3, v0;
	_ =	sdelay $0x1  }
0x8b: {  	v3 =	vperm.xlane v3, v2;
	v4 =	vadd.s32 v1, v4;
	_ =	sdelay $0x1  }
0x8c: {  	v3 =	vadd.s32 v1, v3;
	_ =	sdelay $0x1  }
0x8d: {  	s9 =	rddreg [dreg:$0xb]  }
0x8e: {  	[tilespmem:s9], [sflag:$0x3] =	stream.indirect_vreg.gather [hbm4b:s1+s4], $0x80, v4, vm0, $0xb8;
	[tilespmem:$0x17000] =	vst v63  }
0x8f: {  	s13 =	rddreg [dreg:$0xc]  }
0x90: {  	[tilespmem:s13], [sflag:$0x3] =	stream.indirect_vreg.gather [hbm4b:s1+s4], $0x80, v3, vm0, $0xb8;
	[tilespmem:$0x17000] =	vst v63  }
0x91: {  	s13 =	sadd.s32 $0x4080, s8  }
0x92: {  	[tilespmem:s28], [sflag:$0x4] =	stream.indirect.gather [hbm4b:s3+s24], $0x80, s13, s24, $0xb8;
	[tilespmem:$0x17000] =	vst v63  }
0x93: {  	_ =	swait.ge [sflag:s29], $0x5000  }
0x94: {  	[sflag:s29] =	ssyncset.done $0x0  }
0x95: {  	[sflag:s29] =	ssyncadd.s32 $0xFFFFB000  }
0x96: {  	_ =	swait.ge [sflag:s30], $0x2800  }
0x97: {  	[sflag:s30] =	ssyncset.done $0x0  }
0x98: {  	s13 =	sadd.s32 $0xFFFFF600, s10;
	[sflag:s30] =	ssyncadd.s32 $0xFFFFD800  }
0x99: {  	[hbm4b:s13+s4] =	stream.linear.scatter [tilespmem:s14], [sflag:$0x5], $0x5000, $0x38;
	[tilespmem:$0x17000] =	vst v63  }
0x9a: {  	_ =	swait.ge [sflag:s12], $0x5000  }
0x9b: {  	[sflag:s12] =	ssyncset.done $0x0  }
0x9c: {  	s13 =	sadd.s32 $0xFFFFFB00, s11;
	[sflag:s12] =	ssyncadd.s32 $0xFFFFB000  }
0x9d: {  	[hbm4b:s13+s4] =	stream.linear.scatter [tilespmem:s25], [sflag:$0x5], $0x2800, $0x38;
	[tilespmem:$0x17000] =	vst v63  }
0x9e: {  	_ =	swait.ge [sflag:s12], $0x2800  }
0x9f: {  	[sflag:s12] =	ssyncset.done $0x0  }
0xa0: {  	[sflag:s12] =	ssyncadd.s32 $0xFFFFD800  }
0xa1: {  	v3 =	vld [tilespmem:s8+$0x100];
	_ =	sdelay $0x4  }
0xa2: {  	v59 =	vshll.u32 v3, $0x1  }
0xa3: {  	v3 =	vand.u32 $0x7, v3;
	v4 =	vand.u32 $0xFFFFFFF0, v59  }
0xa4: {  	v3 =	vor.u32 v3, v4  }
0xa5: {  	v4 =	vperm.xlane v3, v0;
	_ =	sdelay $0x1  }
0xa6: {  	v3 =	vperm.xlane v3, v2;
	v4 =	vadd.s32 v1, v4;
	_ =	sdelay $0x1  }
0xa7: {  	v3 =	vadd.s32 v1, v3;
	_ =	sdelay $0x2  }
0xa8: {  	[tilespmem:s14], [sflag:$0x1] =	stream.indirect_vreg.gather [hbm4b:s1+s4], $0x80, v4, vm0, $0xb8;
	[tilespmem:$0x17000] =	vst v63  }
0xa9: {  	_ = 	snop  }
0xaa: {  	[tilespmem:s15], [sflag:$0x1] =	stream.indirect_vreg.gather [hbm4b:s1+s4], $0x80, v3, vm0, $0xb8;
	[tilespmem:$0x17000] =	vst v63  }
0xab: {  	v3 =	vld [tilespmem:s8+$0x110];
	_ =	sdelay $0x4  }
0xac: {  	v60 =	vshll.u32 v3, $0x1  }
0xad: {  	v3 =	vand.u32 $0x7, v3;
	v4 =	vand.u32 $0xFFFFFFF0, v60  }
0xae: {  	v3 =	vor.u32 v3, v4  }
0xaf: {  	v4 =	vperm.xlane v3, v0;
	_ =	sdelay $0x1  }
0xb0: {  	v3 =	vperm.xlane v3, v2;
	v4 =	vadd.s32 v1, v4;
	_ =	sdelay $0x1  }
0xb1: {  	v3 =	vadd.s32 v1, v3;
	_ =	sdelay $0x2  }
0xb2: {  	[tilespmem:s16], [sflag:$0x1] =	stream.indirect_vreg.gather [hbm4b:s1+s4], $0x80, v4, vm0, $0xb8;
	[tilespmem:$0x17000] =	vst v63  }
0xb3: {  	_ = 	snop  }
0xb4: {  	[tilespmem:s17], [sflag:$0x1] =	stream.indirect_vreg.gather [hbm4b:s1+s4], $0x80, v3, vm0, $0xb8;
	[tilespmem:$0x17000] =	vst v63  }
0xb5: {  	v3 =	vld [tilespmem:s8+$0x120];
	_ =	sdelay $0x4  }
0xb6: {  	v61 =	vshll.u32 v3, $0x1  }
0xb7: {  	v3 =	vand.u32 $0x7, v3;
	v4 =	vand.u32 $0xFFFFFFF0, v61  }
0xb8: {  	v3 =	vor.u32 v3, v4  }
0xb9: {  	v4 =	vperm.xlane v3, v0;
	_ =	sdelay $0x1  }
0xba: {  	v3 =	vperm.xlane v3, v2;
	v4 =	vadd.s32 v1, v4;
	_ =	sdelay $0x1  }
0xbb: {  	v3 =	vadd.s32 v1, v3;
	_ =	sdelay $0x2  }
0xbc: {  	[tilespmem:s18], [sflag:$0x1] =	stream.indirect_vreg.gather [hbm4b:s1+s4], $0x80, v4, vm0, $0xb8;
	[tilespmem:$0x17000] =	vst v63  }
0xbd: {  	_ = 	snop  }
0xbe: {  	[tilespmem:s19], [sflag:$0x1] =	stream.indirect_vreg.gather [hbm4b:s1+s4], $0x80, v3, vm0, $0xb8;
	[tilespmem:$0x17000] =	vst v63  }
0xbf: {  	v3 =	vld [tilespmem:s8+$0x130];
	_ =	sdelay $0x4  }
0xc0: {  	v62 =	vshll.u32 v3, $0x1  }
0xc1: {  	v3 =	vand.u32 $0x7, v3;
	v4 =	vand.u32 $0xFFFFFFF0, v62  }
0xc2: {  	v3 =	vor.u32 v3, v4  }
0xc3: {  	v4 =	vperm.xlane v3, v0;
	_ =	sdelay $0x1  }
0xc4: {  	v3 =	vperm.xlane v3, v2;
	v4 =	vadd.s32 v1, v4;
	_ =	sdelay $0x1  }
0xc5: {  	v3 =	vadd.s32 v1, v3;
	_ =	sdelay $0x2  }
0xc6: {  	[tilespmem:s20], [sflag:$0x1] =	stream.indirect_vreg.gather [hbm4b:s1+s4], $0x80, v4, vm0, $0xb8;
	[tilespmem:$0x17000] =	vst v63  }
0xc7: {  	_ = 	snop  }
0xc8: {  	[tilespmem:s21], [sflag:$0x1] =	stream.indirect_vreg.gather [hbm4b:s1+s4], $0x80, v3, vm0, $0xb8;
	[tilespmem:$0x17000] =	vst v63  }
0xc9: {  	v3 =	vld [tilespmem:s8+$0x140];
	_ =	sdelay $0x4  }
0xca: {  	v63 =	vshll.u32 v3, $0x1  }
0xcb: {  	v3 =	vand.u32 $0x7, v3;
	v4 =	vand.u32 $0xFFFFFFF0, v63  }
0xcc: {  	v3 =	vor.u32 v3, v4  }
0xcd: {  	v4 =	vperm.xlane v3, v0;
	_ =	sdelay $0x1  }
0xce: {  	v3 =	vperm.xlane v3, v2;
	v4 =	vadd.s32 v1, v4;
	_ =	sdelay $0x1  }
0xcf: {  	v3 =	vadd.s32 v1, v3;
	_ =	sdelay $0x2  }
0xd0: {  	[tilespmem:s22], [sflag:$0x1] =	stream.indirect_vreg.gather [hbm4b:s1+s4], $0x80, v4, vm0, $0xb8;
	[tilespmem:$0x17000] =	vst v63  }
0xd1: {  	_ = 	snop  }
0xd2: {  	[tilespmem:s23], [sflag:$0x1] =	stream.indirect_vreg.gather [hbm4b:s1+s4], $0x80, v3, vm0, $0xb8;
	[tilespmem:$0x17000] =	vst v63  }
0xd3: {  	s8 =	sadd.s32 $0x4100, s8  }
0xd4: {  	[tilespmem:s25], [sflag:$0x2] =	stream.indirect.gather [hbm4b:s3+s24], $0x80, s8, s24, $0xb8;
	[tilespmem:$0x17000] =	vst v63  }
0xd5: {  	_ =	swait.ge [sflag:s31], $0x5000  }
0xd6: {  	[sflag:s31] =	ssyncset.done $0x0  }
0xd7: {  	[sflag:s31] =	ssyncadd.s32 $0xFFFFB000  }
0xd8: {  	_ =	swait.ge [sflag:s2], $0x2800  }
0xd9: {  	[sflag:s2] =	ssyncset.done $0x0  }
0xda: {  	[sflag:s2] =	ssyncadd.s32 $0xFFFFD800  }
0xdb: {  	[hbm4b:s10+s4] =	stream.linear.scatter [tilespmem:s26], [sflag:$0x5], $0x5000, $0x38;
	[tilespmem:$0x17000] =	vst v63  }
0xdc: {  	_ =	swait.ge [sflag:s12], $0x5000  }
0xdd: {  	p0 =	sne.s32 s7, $0xF400;
	[sflag:s12] =	ssyncset.done $0x0  }
.Ltmp0:
0xde: {  	[sflag:s12] =	ssyncadd.s32 $0xFFFFB000;
	(pc) =	sbr.rel @p0 .LBB2_2-.Ltmp0, $4  }
0xdf: {  	[hbm4b:s11+s4] =	stream.linear.scatter [tilespmem:s28], [sflag:$0x5], $0x2800, $0x38;
	[tilespmem:$0x17000] =	vst v63  }
0xe0: {  	_ =	swait.ge [sflag:s12], $0x2800  }
0xe1: {  	s7 =	sadd.s32 $0x400, s7;
	[sflag:s12] =	ssyncset.done $0x0  }
0xe2: {  	s10 =	sadd.s32 $0x1400, s10;
	s11 =	sadd.s32 $0xA00, s11;
	[sflag:s12] =	ssyncadd.s32 $0xFFFFD800  }
0xe3: {  	_ =	swait.ge [sflag:s29], $0x5000  }
0xe4: {  	[sflag:s29] =	ssyncset.done $0x0  }
0xe5: {  	[sflag:s29] =	ssyncadd.s32 $0xFFFFB000  }
0xe6: {  	_ =	swait.ge [sflag:s30], $0x2800  }
0xe7: {  	[sflag:s30] =	ssyncset.done $0x0  }
0xe8: {  	s7 =	rddreg [dreg:$0xf];
	[sflag:s30] =	ssyncadd.s32 $0xFFFFD800  }
0xe9: {  	[hbm4b:s7+s4] =	stream.linear.scatter [tilespmem:s14], [sflag:$0x5], $0x5000, $0x38;
	[tilespmem:$0x17000] =	vst v63  }
0xea: {  	_ =	swait.ge [sflag:s12], $0x5000  }
0xeb: {  	[sflag:s12] =	ssyncset.done $0x0  }
0xec: {  	s11 =	rddreg [dreg:$0x10];
	[sflag:s12] =	ssyncadd.s32 $0xFFFFB000  }
0xed: {  	[hbm4b:s11+s4] =	stream.linear.scatter [tilespmem:s25], [sflag:$0x5], $0x2800, $0x38;
	[tilespmem:$0x17000] =	vst v63  }
0xee: {  	_ =	swait.ge [sflag:s12], $0x2800  }
0xef: {  	s0 =	sadd.s32 $0x1, s0;
	s13 =	rddreg [dreg:$0x11]  }
0xf0: {  	p0 =	sne.s32 s0, s13  }
.Ltmp1:
0xf1: {  	_ = 	snop;
	(pc) =	sbr.rel @p0 .LBB2_1-.Ltmp1, $3  }
0xf2: {  	_ =	sdelay $0x1  }
0xf3: {  	[sflag:s12] =	ssyncset.done $0x0  }
0xf4: {  	[sflag:s12] =	ssyncadd.s32 $0xFFFFD800  }
0xf5: {  	_ =	sfence.sel $0x180000  }
0xf6: {  	[bflag:$0x0] =	sbarrier.arrive $0xFFFF  }
0xf7: {  	_ =	strace $0x90000047  }
0xf8: {  	s0 =	stileid.u32;
	[bflag:$0x2] =	sbarrier.arrive $0xFFFF  }
0xf9: {  	p0 =	sne.s32 s0, $0x0;
	s0 =	rddreg [dreg:$0x3]  }
0xfa: {  	s0 =	sadd.s32 @!p0 $0x100000, s0  }
0xfb: {  	[sflag:s0] =	ssyncadd.tile.s32 @!p0 $0x1;
	_ =	shalt  }
.Lfunc_end2:
_tile_overlayer_lowered:
.L_overlay_start_2:
0xfc: {  	(tag) =	ssettag $0x2  }
0xfd: {  	s0 =	rddreg [dreg:$0x0];
	s2 =	stileid.u32  }
0xfe: {  	s1 =	rddreg [dreg:$0x1];
	p0 =	sne.s32 s2, $0x0  }
0xff: {  	s3 =	rddreg [dreg:$0x2];
	[bflag:$0x3] =	sbarrier.arrive $0xFFFF;
	s2 =	simm.s32 @!p0 $0x1C05  }
0x100: {  	[timem:s3], [sflag:s2] =	dma.local @!p0 [hbm:s0], s1  }
0x101: {  	s0 =	simm.s32 @!p0 $0x5  }
0x102: {  	_ =	swait.ge @!p0 [sflag:s0], s1  }
0x103: {  	s1 =	ssub.s32 @!p0 $0x0, s1;
	[sflag:s0] =	ssyncset.done @!p0 $0x0  }
0x104: {  	[sflag:s0] =	ssyncadd.s32 @!p0 s1  }
0x105: {  	[bflag:$0x3] =	sbarrier.arrive $0xFFFF  }
0x106: {  	_ =	shalt  }

</sc_bundles>
